<compile_context>
chip_gen: v7x
topology: tpu7x:2x2x1
jax: 0.10.2.dev20260603
libtpu: 0.0.44.dev20260713+nightly
codegen_flags: <defaults>
</compile_context>

<pallas_src>
import functools

import jax
import jax.numpy as jnp
from jax import lax
from jax.experimental import pallas as pl
from jax.experimental.pallas import tpu as pltpu
from jax.experimental.pallas import tpu_sc as plsc

_N = 10000
_E = 320000
_D = 128
_NC = 2
_NS = 16
_NW = _NC * _NS
_EPT = _E // _NW
_K = 80
_NCHUNK = _EPT // _K
_NBUF = 3
_RPT = 624
_RREM = _N - _NS * _RPT
_WBC = 104

_mesh = plsc.VectorSubcoreMesh(core_axis_name="c", subcore_axis_name="s")


@functools.partial(
    pl.kernel,
    out_type=jax.ShapeDtypeStruct((_NC, _N, _D), jnp.float32),
    mesh=_mesh,
    compiler_params=pltpu.CompilerParams(
        use_tc_tiling_on_sc=False, needs_layout_passes=False
    ),
    scratch_types=[
        pltpu.VMEM((_EPT,), jnp.int32),
        pltpu.VMEM((_EPT,), jnp.int32),
        pltpu.VMEM((_K, _D), jnp.bfloat16),
        pltpu.VMEM((_K, _D), jnp.bfloat16),
        pltpu.VMEM((_K, _D), jnp.bfloat16),
        pltpu.VMEM_SHARED((_N, _D), jnp.bfloat16),
        pltpu.VMEM((_WBC, _D), jnp.bfloat16),
        pltpu.VMEM((_WBC, _D), jnp.float32),
        pltpu.SemaphoreType.DMA,
        pltpu.SemaphoreType.DMA,
        pltpu.SemaphoreType.DMA,
        pltpu.SemaphoreType.DMA,
        pltpu.SemaphoreType.DMA,
        pltpu.SemaphoreType.DMA,
    ],
)
def _sc_agg(x_hbm, ei_hbm, out_hbm,
            src_v, dst_v, rows0_v, rows1_v, rows2_v, acc_sh, wb_bf, wb_f32,
            gsem0, gsem1, gsem2, ssem0, ssem1, ssem2):
    c = lax.axis_index("c")
    s = lax.axis_index("s")
    wid = c * _NS + s
    r0 = s * _RPT
    pltpu.sync_copy(x_hbm.at[pl.ds(r0, _RPT)], acc_sh.at[pl.ds(r0, _RPT)])

    @pl.when(s == _NS - 1)
    def _init_tail():
        rt = _NS * _RPT
        pltpu.sync_copy(x_hbm.at[pl.ds(rt, _RREM)], acc_sh.at[pl.ds(rt, _RREM)])

    plsc.subcore_barrier()

    ebase = wid * _EPT
    pltpu.sync_copy(ei_hbm.at[0, pl.ds(ebase, _EPT)], src_v)
    pltpu.sync_copy(ei_hbm.at[1, pl.ds(ebase, _EPT)], dst_v)

    gsems = (gsem0, gsem1, gsem2)
    ssems = (ssem0, ssem1, ssem2)
    rows = (rows0_v, rows1_v, rows2_v)

    def _prefetch(i, b):
        pltpu.async_copy(
            x_hbm.at[src_v.at[pl.ds(i * _K, _K)]], rows[b], gsems[b]
        )

    def _drain_scatter(i, b):
        pltpu.make_async_copy(
            rows[b], acc_sh.at[dst_v.at[pl.ds(i * _K, _K)]], ssems[b]
        ).wait()

    def _step(i, b, drain_prev, prefetch_next):
        pltpu.make_async_copy(
            x_hbm.at[src_v.at[pl.ds(i * _K, _K)]], rows[b], gsems[b]
        ).wait()
        pltpu.async_copy(
            rows[b], acc_sh.at[dst_v.at[pl.ds(i * _K, _K)]], ssems[b], add=True
        )
        b2 = (b + _NBUF - 1) % _NBUF
        if drain_prev:
            _drain_scatter(i - 1, b2)
        if prefetch_next:
            _prefetch(i + _NBUF - 1, b2)

    for b in range(_NBUF - 1):
        _prefetch(b, b)
    _step(0, 0, drain_prev=False, prefetch_next=True)

    @pl.loop(1, _NCHUNK - 4, step=_NBUF)
    def _chunk(g):
        for k in range(_NBUF):
            _step(g + k, (1 + k) % _NBUF, drain_prev=True, prefetch_next=True)

    for i in range(_NCHUNK - 4, _NCHUNK):
        _step(i, i % _NBUF, drain_prev=True,
              prefetch_next=(i + _NBUF - 1 < _NCHUNK))
    _drain_scatter(_NCHUNK - 1, (_NCHUNK - 1) % _NBUF)
    plsc.subcore_barrier()

    def _wb_rows(nr, rbase):
        pltpu.sync_copy(acc_sh.at[pl.ds(rbase, nr)], wb_bf.at[pl.ds(0, nr)])

        @pl.loop(0, nr)
        def _r(q):
            for g in range(4):
                v = wb_bf[q, pl.ds(32 * g, 32)]
                ev, od = plsc.unpack(v, format=plsc.PackFormat.INTERLEAVED)
                wb_f32[q, pl.ds(32 * g, 16)] = ev
                wb_f32[q, pl.ds(32 * g + 16, 16)] = od

        pltpu.sync_copy(wb_f32.at[pl.ds(0, nr)], out_hbm.at[c, pl.ds(rbase, nr)])

    for cc in range(_RPT // _WBC):
        _wb_rows(_WBC, r0 + cc * _WBC)

    @pl.when(s == _NS - 1)
    def _wb_tail():
        _wb_rows(_RREM, _NS * _RPT)


def _mlp_body(x_ref, agg_ref, ws_ref, w_ref, b_ref, out_ref):
    aggs = agg_ref[0] + agg_ref[1]
    out_ref[...] = (
        jnp.dot(aggs, ws_ref[...], preferred_element_type=jnp.float32)
        - jnp.dot(x_ref[...], w_ref[...], preferred_element_type=jnp.float32)
        + b_ref[...]
    )


_RB = 1000

_mlp = pl.pallas_call(
    _mlp_body,
    grid=(_N // _RB,),
    in_specs=[
        pl.BlockSpec((_RB, _D), lambda i: (i, 0)),
        pl.BlockSpec((_NC, _RB, _D), lambda i: (0, i, 0)),
        pl.BlockSpec((_D, _D), lambda i: (0, 0)),
        pl.BlockSpec((_D, _D), lambda i: (0, 0)),
        pl.BlockSpec((1, _D), lambda i: (0, 0)),
    ],
    out_specs=pl.BlockSpec((_RB, _D), lambda i: (i, 0)),
    out_shape=jax.ShapeDtypeStruct((_N, _D), jnp.float32),
)

_PERM = [
    32 * g + (2 * k if k < 16 else 2 * (k - 16) + 1)
    for g in range(4)
    for k in range(32)
]


def kernel(x, edge_index, W, b):
    agg2 = _sc_agg(x.astype(jnp.bfloat16), edge_index)
    Ws = W[jnp.asarray(_PERM, dtype=jnp.int32), :]
    return _mlp(x, agg2, Ws, W, b.reshape(1, _D))

# --- scband reference (transcript-rebuilt; emitter-appended) ---
"""Pipeline reference for scband-gin-encoder-22179211117091 (READ-ONLY COPY).

The authoritative reference and input builder live on the scoring server;
editing this copy changes nothing except your own understanding.
"""

import jax, jax.numpy as jnp
import numpy as np

N = 10000
E = 320000
D = 128
H = 128
EPS = 0.0  # GINConv default eps


def setup_inputs(seed: int = 0) -> dict:
    key = jax.random.key(seed)
    k1, k2, k3, k4 = jax.random.split(key, 4)
    x = jax.random.normal(k1, (N, D), dtype=jnp.float32)
    edge_index = jax.random.randint(k2, (2, E), 0, N, dtype=jnp.int32)
    # GINConv nn = Linear(num_features, hidden)
    bound = 1.0 / np.sqrt(D)
    W = jax.random.uniform(k3, (D, H), dtype=jnp.float32, minval=-bound, maxval=bound)
    b = jax.random.uniform(k4, (H,), dtype=jnp.float32, minval=-bound, maxval=bound)
    return {"x": x, "edge_index": edge_index, "W": W, "b": b}


def reference(x, edge_index, W, b):
    # PyG GINConv with aggr='add': out = nn((1+eps)*x + sum_{j in N(i)} x_j)
    src = edge_index[0]
    dst = edge_index[1]
    messages = jnp.take(x, src, axis=0)              # gather: [E, D]
    agg = jax.ops.segment_sum(messages, dst, num_segments=N)  # scatter-add: [N, D]
    h = (1.0 + EPS) * x + agg
    out = h @ W + b
    return out

if __name__ == "__main__":
    import jax
    _d = setup_inputs()
    print(jax.jit(kernel)(*tuple(_d.values())))

</pallas_src>

<mosaic_0001>
#map = affine_map<(d0, d1) -> (0, 0)>
#map1 = affine_map<(d0, d1) -> (0, 0, 0)>
module attributes {stable_mosaic.version = 14 : i64} {
  func.func @_sc_agg(%arg0: i32, %arg1: i32, %arg2: memref<10000x128xbf16, #tpu.memory_space<hbm>>, %arg3: memref<2x320000xi32, #tpu.memory_space<hbm>>, %arg4: memref<2x10000x128xf32, #tpu.memory_space<hbm>>, %arg5: memref<10000xi32, #tpu.memory_space<vmem>>, %arg6: memref<10000xi32, #tpu.memory_space<vmem>>, %arg7: memref<80x128xbf16, #tpu.memory_space<vmem>>, %arg8: memref<80x128xbf16, #tpu.memory_space<vmem>>, %arg9: memref<80x128xbf16, #tpu.memory_space<vmem>>, %arg10: memref<10000x128xbf16, #tpu.memory_space<vmem_shared>>, %arg11: memref<104x128xbf16, #tpu.memory_space<vmem>>, %arg12: memref<104x128xf32, #tpu.memory_space<vmem>>, %arg13: memref<!tpu.dma_semaphore, #tpu.memory_space<semaphore_mem>>, %arg14: memref<!tpu.dma_semaphore, #tpu.memory_space<semaphore_mem>>, %arg15: memref<!tpu.dma_semaphore, #tpu.memory_space<semaphore_mem>>, %arg16: memref<!tpu.dma_semaphore, #tpu.memory_space<semaphore_mem>>, %arg17: memref<!tpu.dma_semaphore, #tpu.memory_space<semaphore_mem>>, %arg18: memref<!tpu.dma_semaphore, #tpu.memory_space<semaphore_mem>>) attributes {dimension_semantics = [#tpu.dimension_semantics<core_parallel>, #tpu.dimension_semantics<subcore_parallel>], iteration_bounds = array<i64: 2, 16>, scalar_prefetch = 0 : i64, scratch_operands = 14 : i64, tpu.core_type = #tpu.core_type<sc_vector_subcore>, window_params = [{transform_indices = #map}, {transform_indices = #map}, {transform_indices = #map1}]} {
    %mul3A = arith.constant 16 : i32
    %mul3A_0 = arith.muli %arg0, %mul3A : i32
    %add3A = arith.addi %mul3A_0, %arg1 : i32
    %mul3A_1 = arith.constant 624 : i32
    %mul3A_2 = arith.muli %arg1, %mul3A_1 : i32
    "tpu.region"() ({
      %run_scoped3A_158 = tpu.sem_alloc : memref<!tpu.dma_semaphore, #tpu.memory_space<semaphore_mem>>
      %dma_start3A_159 = arith.constant 0 : i32
      %dma_start3A_160 = tpu.memref_slice %arg10[%mul3A_2, %dma_start3A_159] : memref<10000x128xbf16, #tpu.memory_space<vmem_shared>> -> memref<624x128xbf16, #tpu.memory_space<vmem_shared>>
      %dma_start3A_161 = arith.constant 0 : i32
      %dma_start3A_162 = tpu.memref_slice %arg2[%mul3A_2, %dma_start3A_161] : memref<10000x128xbf16, #tpu.memory_space<hbm>> -> memref<624x128xbf16, #tpu.memory_space<hbm>>
      tpu.enqueue_dma source(%dma_start3A_162 : memref<624x128xbf16, #tpu.memory_space<hbm>>) target(%dma_start3A_160 : memref<624x128xbf16, #tpu.memory_space<vmem_shared>>) target_semaphore(%run_scoped3A_158 : memref<!tpu.dma_semaphore, #tpu.memory_space<semaphore_mem>>)
      %dma_wait3A_163 = arith.constant 0 : i32
      %dma_wait3A_164 = tpu.memref_slice %arg10[%mul3A_2, %dma_wait3A_163] : memref<10000x128xbf16, #tpu.memory_space<vmem_shared>> -> memref<624x128xbf16, #tpu.memory_space<vmem_shared>>
      %dma_wait3A_165 = arith.constant 0 : i32
      %dma_wait3A_166 = tpu.memref_slice %arg2[%mul3A_2, %dma_wait3A_165] : memref<10000x128xbf16, #tpu.memory_space<hbm>> -> memref<624x128xbf16, #tpu.memory_space<hbm>>
      tpu.wait_dma2 semaphore(%run_scoped3A_158 : memref<!tpu.dma_semaphore, #tpu.memory_space<semaphore_mem>>) src(%dma_wait3A_166 : memref<624x128xbf16, #tpu.memory_space<hbm>>) dst(%dma_wait3A_164 : memref<624x128xbf16, #tpu.memory_space<vmem_shared>>)
      tpu.yield
    }) : () -> ()
    %eq3A = arith.constant 15 : i32
    %eq3A_3 = arith.cmpi eq, %arg1, %eq3A : i32
    %convert_element_type3A = arith.extui %eq3A_3 : i1 to i32
    %cond3A = arith.constant 0 : i32
    %cond3A_4 = arith.cmpi ne, %convert_element_type3A, %cond3A : i32
    scf.if %cond3A_4 {
      "tpu.region"() ({
        %run_scoped3A_158 = tpu.sem_alloc : memref<!tpu.dma_semaphore, #tpu.memory_space<semaphore_mem>>
        %dma_start3A_159 = arith.constant 9984 : i32
        %dma_start3A_160 = arith.constant 0 : i32
        %dma_start3A_161 = tpu.memref_slice %arg10[%dma_start3A_159, %dma_start3A_160] : memref<10000x128xbf16, #tpu.memory_space<vmem_shared>> -> memref<16x128xbf16, #tpu.memory_space<vmem_shared>>
        %dma_start3A_162 = arith.constant 9984 : i32
        %dma_start3A_163 = arith.constant 0 : i32
        %dma_start3A_164 = tpu.memref_slice %arg2[%dma_start3A_162, %dma_start3A_163] : memref<10000x128xbf16, #tpu.memory_space<hbm>> -> memref<16x128xbf16, #tpu.memory_space<hbm>>
        tpu.enqueue_dma source(%dma_start3A_164 : memref<16x128xbf16, #tpu.memory_space<hbm>>) target(%dma_start3A_161 : memref<16x128xbf16, #tpu.memory_space<vmem_shared>>) target_semaphore(%run_scoped3A_158 : memref<!tpu.dma_semaphore, #tpu.memory_space<semaphore_mem>>)
        %dma_wait3A_165 = arith.constant 9984 : i32
        %dma_wait3A_166 = arith.constant 0 : i32
        %dma_wait3A_167 = tpu.memref_slice %arg10[%dma_wait3A_165, %dma_wait3A_166] : memref<10000x128xbf16, #tpu.memory_space<vmem_shared>> -> memref<16x128xbf16, #tpu.memory_space<vmem_shared>>
        %dma_wait3A_168 = arith.constant 9984 : i32
        %dma_wait3A_169 = arith.constant 0 : i32
        %dma_wait3A_170 = tpu.memref_slice %arg2[%dma_wait3A_168, %dma_wait3A_169] : memref<10000x128xbf16, #tpu.memory_space<hbm>> -> memref<16x128xbf16, #tpu.memory_space<hbm>>
        tpu.wait_dma2 semaphore(%run_scoped3A_158 : memref<!tpu.dma_semaphore, #tpu.memory_space<semaphore_mem>>) src(%dma_wait3A_170 : memref<16x128xbf16, #tpu.memory_space<hbm>>) dst(%dma_wait3A_167 : memref<16x128xbf16, #tpu.memory_space<vmem_shared>>)
        tpu.yield
      }) : () -> ()
    } else {
    }
    %barrier3A = arith.constant 0 : index
    tpu.barrier barrier_id(%barrier3A)
    %mul3A_5 = arith.constant 10000 : i32
    %mul3A_6 = arith.muli %add3A, %mul3A_5 : i32
    %run_scoped3A = arith.constant 0 : i32
    "tpu.region"() ({
      %run_scoped3A_158 = tpu.sem_alloc : memref<!tpu.dma_semaphore, #tpu.memory_space<semaphore_mem>>
      %dma_start3A_159 = tpu.memref_slice %arg3[%run_scoped3A, %mul3A_6] : memref<2x320000xi32, #tpu.memory_space<hbm>> -> memref<1x10000xi32, #tpu.memory_space<hbm>>
      %dma_start3A_160 = tpu.memref_squeeze %dma_start3A_159 : memref<1x10000xi32, #tpu.memory_space<hbm>> -> memref<10000xi32, #tpu.memory_space<hbm>>
      %dma_start3A_161 = tpu.memref_slice %arg3[%run_scoped3A, %mul3A_6] : memref<2x320000xi32, #tpu.memory_space<hbm>> -> memref<1x10000xi32, #tpu.memory_space<hbm>>
      %dma_start3A_162 = tpu.memref_squeeze %dma_start3A_161 : memref<1x10000xi32, #tpu.memory_space<hbm>> -> memref<10000xi32, #tpu.memory_space<hbm>>
      tpu.enqueue_dma source(%dma_start3A_162 : memref<10000xi32, #tpu.memory_space<hbm>>) target(%arg5 : memref<10000xi32, #tpu.memory_space<vmem>>) target_semaphore(%run_scoped3A_158 : memref<!tpu.dma_semaphore, #tpu.memory_space<semaphore_mem>>)
      %dma_wait3A_163 = tpu.memref_slice %arg3[%run_scoped3A, %mul3A_6] : memref<2x320000xi32, #tpu.memory_space<hbm>> -> memref<1x10000xi32, #tpu.memory_space<hbm>>
      %dma_wait3A_164 = tpu.memref_squeeze %dma_wait3A_163 : memref<1x10000xi32, #tpu.memory_space<hbm>> -> memref<10000xi32, #tpu.memory_space<hbm>>
      %dma_wait3A_165 = tpu.memref_slice %arg3[%run_scoped3A, %mul3A_6] : memref<2x320000xi32, #tpu.memory_space<hbm>> -> memref<1x10000xi32, #tpu.memory_space<hbm>>
      %dma_wait3A_166 = tpu.memref_squeeze %dma_wait3A_165 : memref<1x10000xi32, #tpu.memory_space<hbm>> -> memref<10000xi32, #tpu.memory_space<hbm>>
      tpu.wait_dma2 semaphore(%run_scoped3A_158 : memref<!tpu.dma_semaphore, #tpu.memory_space<semaphore_mem>>) src(%dma_wait3A_166 : memref<10000xi32, #tpu.memory_space<hbm>>) dst(%arg5 : memref<10000xi32, #tpu.memory_space<vmem>>)
      tpu.yield
    }) : () -> ()
    %run_scoped3A_7 = arith.constant 1 : i32
    "tpu.region"() ({
      %run_scoped3A_158 = tpu.sem_alloc : memref<!tpu.dma_semaphore, #tpu.memory_space<semaphore_mem>>
      %dma_start3A_159 = tpu.memref_slice %arg3[%run_scoped3A_7, %mul3A_6] : memref<2x320000xi32, #tpu.memory_space<hbm>> -> memref<1x10000xi32, #tpu.memory_space<hbm>>
      %dma_start3A_160 = tpu.memref_squeeze %dma_start3A_159 : memref<1x10000xi32, #tpu.memory_space<hbm>> -> memref<10000xi32, #tpu.memory_space<hbm>>
      %dma_start3A_161 = tpu.memref_slice %arg3[%run_scoped3A_7, %mul3A_6] : memref<2x320000xi32, #tpu.memory_space<hbm>> -> memref<1x10000xi32, #tpu.memory_space<hbm>>
      %dma_start3A_162 = tpu.memref_squeeze %dma_start3A_161 : memref<1x10000xi32, #tpu.memory_space<hbm>> -> memref<10000xi32, #tpu.memory_space<hbm>>
      tpu.enqueue_dma source(%dma_start3A_162 : memref<10000xi32, #tpu.memory_space<hbm>>) target(%arg6 : memref<10000xi32, #tpu.memory_space<vmem>>) target_semaphore(%run_scoped3A_158 : memref<!tpu.dma_semaphore, #tpu.memory_space<semaphore_mem>>)
      %dma_wait3A_163 = tpu.memref_slice %arg3[%run_scoped3A_7, %mul3A_6] : memref<2x320000xi32, #tpu.memory_space<hbm>> -> memref<1x10000xi32, #tpu.memory_space<hbm>>
      %dma_wait3A_164 = tpu.memref_squeeze %dma_wait3A_163 : memref<1x10000xi32, #tpu.memory_space<hbm>> -> memref<10000xi32, #tpu.memory_space<hbm>>
      %dma_wait3A_165 = tpu.memref_slice %arg3[%run_scoped3A_7, %mul3A_6] : memref<2x320000xi32, #tpu.memory_space<hbm>> -> memref<1x10000xi32, #tpu.memory_space<hbm>>
      %dma_wait3A_166 = tpu.memref_squeeze %dma_wait3A_165 : memref<1x10000xi32, #tpu.memory_space<hbm>> -> memref<10000xi32, #tpu.memory_space<hbm>>
      tpu.wait_dma2 semaphore(%run_scoped3A_158 : memref<!tpu.dma_semaphore, #tpu.memory_space<semaphore_mem>>) src(%dma_wait3A_166 : memref<10000xi32, #tpu.memory_space<hbm>>) dst(%arg6 : memref<10000xi32, #tpu.memory_space<vmem>>)
      tpu.yield
    }) : () -> ()
    %dma_start3A = arith.constant 0 : i32
    %dma_start3A_8 = tpu.memref_slice %arg5[%dma_start3A] : memref<10000xi32, #tpu.memory_space<vmem>> -> memref<80xi32, #tpu.memory_space<vmem>>
    %dma_start3A_9 = arith.constant 0 : i32
    %dma_start3A_10 = arith.constant 0 : i32
    %dma_start3A_11 = tpu.memref_slice %arg2[%dma_start3A_9, %dma_start3A_10] : memref<10000x128xbf16, #tpu.memory_space<hbm>> -> memref<10000x128xbf16, #tpu.memory_space<hbm>>
    tpu.enqueue_indirect_dma source(%dma_start3A_11 : memref<10000x128xbf16, #tpu.memory_space<hbm>>) target(%arg7 : memref<80x128xbf16, #tpu.memory_space<vmem>>) offsets(%dma_start3A_8 : memref<80xi32, #tpu.memory_space<vmem>>) semaphore(%arg13 : memref<!tpu.dma_semaphore, #tpu.memory_space<semaphore_mem>>)
    %dma_start3A_12 = arith.constant 80 : i32
    %dma_start3A_13 = tpu.memref_slice %arg5[%dma_start3A_12] : memref<10000xi32, #tpu.memory_space<vmem>> -> memref<80xi32, #tpu.memory_space<vmem>>
    %dma_start3A_14 = arith.constant 0 : i32
    %dma_start3A_15 = arith.constant 0 : i32
    %dma_start3A_16 = tpu.memref_slice %arg2[%dma_start3A_14, %dma_start3A_15] : memref<10000x128xbf16, #tpu.memory_space<hbm>> -> memref<10000x128xbf16, #tpu.memory_space<hbm>>
    tpu.enqueue_indirect_dma source(%dma_start3A_16 : memref<10000x128xbf16, #tpu.memory_space<hbm>>) target(%arg8 : memref<80x128xbf16, #tpu.memory_space<vmem>>) offsets(%dma_start3A_13 : memref<80xi32, #tpu.memory_space<vmem>>) semaphore(%arg14 : memref<!tpu.dma_semaphore, #tpu.memory_space<semaphore_mem>>)
    %dma_wait3A = arith.constant 0 : i32
    %dma_wait3A_17 = tpu.memref_slice %arg5[%dma_wait3A] : memref<10000xi32, #tpu.memory_space<vmem>> -> memref<80xi32, #tpu.memory_space<vmem>>
    %dma_wait3A_18 = arith.constant 0 : i32
    %dma_wait3A_19 = arith.constant 0 : i32
    %dma_wait3A_20 = tpu.memref_slice %arg2[%dma_wait3A_18, %dma_wait3A_19] : memref<10000x128xbf16, #tpu.memory_space<hbm>> -> memref<10000x128xbf16, #tpu.memory_space<hbm>>
    tpu.wait_indirect_dma semaphore(%arg13 : memref<!tpu.dma_semaphore, #tpu.memory_space<semaphore_mem>>) src(%dma_wait3A_20 : memref<10000x128xbf16, #tpu.memory_space<hbm>>) dst(%arg7 : memref<80x128xbf16, #tpu.memory_space<vmem>>)
    %dma_start3A_21 = arith.constant 0 : i32
    %dma_start3A_22 = tpu.memref_slice %arg6[%dma_start3A_21] : memref<10000xi32, #tpu.memory_space<vmem>> -> memref<80xi32, #tpu.memory_space<vmem>>
    %dma_start3A_23 = arith.constant 0 : i32
    %dma_start3A_24 = arith.constant 0 : i32
    %dma_start3A_25 = tpu.memref_slice %arg10[%dma_start3A_23, %dma_start3A_24] : memref<10000x128xbf16, #tpu.memory_space<vmem_shared>> -> memref<10000x128xbf16, #tpu.memory_space<vmem_shared>>
    tpu.enqueue_indirect_dma source(%arg7 : memref<80x128xbf16, #tpu.memory_space<vmem>>) target(%dma_start3A_25 : memref<10000x128xbf16, #tpu.memory_space<vmem_shared>>) offsets(%dma_start3A_22 : memref<80xi32, #tpu.memory_space<vmem>>) semaphore(%arg16 : memref<!tpu.dma_semaphore, #tpu.memory_space<semaphore_mem>>) {add = true}
    %dma_start3A_26 = arith.constant 160 : i32
    %dma_start3A_27 = tpu.memref_slice %arg5[%dma_start3A_26] : memref<10000xi32, #tpu.memory_space<vmem>> -> memref<80xi32, #tpu.memory_space<vmem>>
    %dma_start3A_28 = arith.constant 0 : i32
    %dma_start3A_29 = arith.constant 0 : i32
    %dma_start3A_30 = tpu.memref_slice %arg2[%dma_start3A_28, %dma_start3A_29] : memref<10000x128xbf16, #tpu.memory_space<hbm>> -> memref<10000x128xbf16, #tpu.memory_space<hbm>>
    tpu.enqueue_indirect_dma source(%dma_start3A_30 : memref<10000x128xbf16, #tpu.memory_space<hbm>>) target(%arg9 : memref<80x128xbf16, #tpu.memory_space<vmem>>) offsets(%dma_start3A_27 : memref<80xi32, #tpu.memory_space<vmem>>) semaphore(%arg15 : memref<!tpu.dma_semaphore, #tpu.memory_space<semaphore_mem>>)
    %scan3A = arith.constant 0 : i32
    %scan3A_31 = arith.constant 40 : i32
    %scan3A_32 = arith.addi %scan3A, %scan3A_31 : i32
    %scan3A_33 = arith.constant 1 : i32
    scf.for %scan3A_158 = %scan3A to %scan3A_32 step %scan3A_33  : i32 {
      %mul3A_159 = arith.constant 3 : i32
      %mul3A_160 = arith.muli %scan3A_158, %mul3A_159 : i32
      %add3A_161 = arith.constant 1 : i32
      %add3A_162 = arith.addi %add3A_161, %mul3A_160 : i32
      %add3A_163 = arith.constant 0 : i32
      %add3A_164 = arith.addi %add3A_162, %add3A_163 : i32
      %mul3A_165 = arith.constant 80 : i32
      %mul3A_166 = arith.muli %add3A_164, %mul3A_165 : i32
      %dma_wait3A_167 = tpu.memref_slice %arg5[%mul3A_166] : memref<10000xi32, #tpu.memory_space<vmem>> -> memref<80xi32, #tpu.memory_space<vmem>>
      %dma_wait3A_168 = arith.constant 0 : i32
      %dma_wait3A_169 = arith.constant 0 : i32
      %dma_wait3A_170 = tpu.memref_slice %arg2[%dma_wait3A_168, %dma_wait3A_169] : memref<10000x128xbf16, #tpu.memory_space<hbm>> -> memref<10000x128xbf16, #tpu.memory_space<hbm>>
      tpu.wait_indirect_dma semaphore(%arg14 : memref<!tpu.dma_semaphore, #tpu.memory_space<semaphore_mem>>) src(%dma_wait3A_170 : memref<10000x128xbf16, #tpu.memory_space<hbm>>) dst(%arg8 : memref<80x128xbf16, #tpu.memory_space<vmem>>)
      %mul3A_171 = arith.constant 80 : i32
      %mul3A_172 = arith.muli %add3A_164, %mul3A_171 : i32
      %dma_start3A_173 = tpu.memref_slice %arg6[%mul3A_172] : memref<10000xi32, #tpu.memory_space<vmem>> -> memref<80xi32, #tpu.memory_space<vmem>>
      %dma_start3A_174 = arith.constant 0 : i32
      %dma_start3A_175 = arith.constant 0 : i32
      %dma_start3A_176 = tpu.memref_slice %arg10[%dma_start3A_174, %dma_start3A_175] : memref<10000x128xbf16, #tpu.memory_space<vmem_shared>> -> memref<10000x128xbf16, #tpu.memory_space<vmem_shared>>
      tpu.enqueue_indirect_dma source(%arg8 : memref<80x128xbf16, #tpu.memory_space<vmem>>) target(%dma_start3A_176 : memref<10000x128xbf16, #tpu.memory_space<vmem_shared>>) offsets(%dma_start3A_173 : memref<80xi32, #tpu.memory_space<vmem>>) semaphore(%arg17 : memref<!tpu.dma_semaphore, #tpu.memory_space<semaphore_mem>>) {add = true}
      %sub3A = arith.constant 1 : i32
      %sub3A_177 = arith.subi %add3A_164, %sub3A : i32
      %mul3A_178 = arith.constant 80 : i32
      %mul3A_179 = arith.muli %sub3A_177, %mul3A_178 : i32
      %dma_wait3A_180 = tpu.memref_slice %arg6[%mul3A_179] : memref<10000xi32, #tpu.memory_space<vmem>> -> memref<80xi32, #tpu.memory_space<vmem>>
      %dma_wait3A_181 = arith.constant 0 : i32
      %dma_wait3A_182 = arith.constant 0 : i32
      %dma_wait3A_183 = tpu.memref_slice %arg10[%dma_wait3A_181, %dma_wait3A_182] : memref<10000x128xbf16, #tpu.memory_space<vmem_shared>> -> memref<10000x128xbf16, #tpu.memory_space<vmem_shared>>
      tpu.wait_indirect_dma semaphore(%arg16 : memref<!tpu.dma_semaphore, #tpu.memory_space<semaphore_mem>>) src(%arg7 : memref<80x128xbf16, #tpu.memory_space<vmem>>) dst(%dma_wait3A_183 : memref<10000x128xbf16, #tpu.memory_space<vmem_shared>>)
      %add3A_184 = arith.constant 3 : i32
      %add3A_185 = arith.addi %add3A_164, %add3A_184 : i32
      %sub3A_186 = arith.constant 1 : i32
      %sub3A_187 = arith.subi %add3A_185, %sub3A_186 : i32
      %mul3A_188 = arith.constant 80 : i32
      %mul3A_189 = arith.muli %sub3A_187, %mul3A_188 : i32
      %dma_start3A_190 = tpu.memref_slice %arg5[%mul3A_189] : memref<10000xi32, #tpu.memory_space<vmem>> -> memref<80xi32, #tpu.memory_space<vmem>>
      %dma_start3A_191 = arith.constant 0 : i32
      %dma_start3A_192 = arith.constant 0 : i32
      %dma_start3A_193 = tpu.memref_slice %arg2[%dma_start3A_191, %dma_start3A_192] : memref<10000x128xbf16, #tpu.memory_space<hbm>> -> memref<10000x128xbf16, #tpu.memory_space<hbm>>
      tpu.enqueue_indirect_dma source(%dma_start3A_193 : memref<10000x128xbf16, #tpu.memory_space<hbm>>) target(%arg7 : memref<80x128xbf16, #tpu.memory_space<vmem>>) offsets(%dma_start3A_190 : memref<80xi32, #tpu.memory_space<vmem>>) semaphore(%arg13 : memref<!tpu.dma_semaphore, #tpu.memory_space<semaphore_mem>>)
      %add3A_194 = arith.constant 1 : i32
      %add3A_195 = arith.addi %add3A_162, %add3A_194 : i32
      %mul3A_196 = arith.constant 80 : i32
      %mul3A_197 = arith.muli %add3A_195, %mul3A_196 : i32
      %dma_wait3A_198 = tpu.memref_slice %arg5[%mul3A_197] : memref<10000xi32, #tpu.memory_space<vmem>> -> memref<80xi32, #tpu.memory_space<vmem>>
      %dma_wait3A_199 = arith.constant 0 : i32
      %dma_wait3A_200 = arith.constant 0 : i32
      %dma_wait3A_201 = tpu.memref_slice %arg2[%dma_wait3A_199, %dma_wait3A_200] : memref<10000x128xbf16, #tpu.memory_space<hbm>> -> memref<10000x128xbf16, #tpu.memory_space<hbm>>
      tpu.wait_indirect_dma semaphore(%arg15 : memref<!tpu.dma_semaphore, #tpu.memory_space<semaphore_mem>>) src(%dma_wait3A_201 : memref<10000x128xbf16, #tpu.memory_space<hbm>>) dst(%arg9 : memref<80x128xbf16, #tpu.memory_space<vmem>>)
      %mul3A_202 = arith.constant 80 : i32
      %mul3A_203 = arith.muli %add3A_195, %mul3A_202 : i32
      %dma_start3A_204 = tpu.memref_slice %arg6[%mul3A_203] : memref<10000xi32, #tpu.memory_space<vmem>> -> memref<80xi32, #tpu.memory_space<vmem>>
      %dma_start3A_205 = arith.constant 0 : i32
      %dma_start3A_206 = arith.constant 0 : i32
      %dma_start3A_207 = tpu.memref_slice %arg10[%dma_start3A_205, %dma_start3A_206] : memref<10000x128xbf16, #tpu.memory_space<vmem_shared>> -> memref<10000x128xbf16, #tpu.memory_space<vmem_shared>>
      tpu.enqueue_indirect_dma source(%arg9 : memref<80x128xbf16, #tpu.memory_space<vmem>>) target(%dma_start3A_207 : memref<10000x128xbf16, #tpu.memory_space<vmem_shared>>) offsets(%dma_start3A_204 : memref<80xi32, #tpu.memory_space<vmem>>) semaphore(%arg18 : memref<!tpu.dma_semaphore, #tpu.memory_space<semaphore_mem>>) {add = true}
      %sub3A_208 = arith.constant 1 : i32
      %sub3A_209 = arith.subi %add3A_195, %sub3A_208 : i32
      %mul3A_210 = arith.constant 80 : i32
      %mul3A_211 = arith.muli %sub3A_209, %mul3A_210 : i32
      %dma_wait3A_212 = tpu.memref_slice %arg6[%mul3A_211] : memref<10000xi32, #tpu.memory_space<vmem>> -> memref<80xi32, #tpu.memory_space<vmem>>
      %dma_wait3A_213 = arith.constant 0 : i32
      %dma_wait3A_214 = arith.constant 0 : i32
      %dma_wait3A_215 = tpu.memref_slice %arg10[%dma_wait3A_213, %dma_wait3A_214] : memref<10000x128xbf16, #tpu.memory_space<vmem_shared>> -> memref<10000x128xbf16, #tpu.memory_space<vmem_shared>>
      tpu.wait_indirect_dma semaphore(%arg17 : memref<!tpu.dma_semaphore, #tpu.memory_space<semaphore_mem>>) src(%arg8 : memref<80x128xbf16, #tpu.memory_space<vmem>>) dst(%dma_wait3A_215 : memref<10000x128xbf16, #tpu.memory_space<vmem_shared>>)
      %add3A_216 = arith.constant 3 : i32
      %add3A_217 = arith.addi %add3A_195, %add3A_216 : i32
      %sub3A_218 = arith.constant 1 : i32
      %sub3A_219 = arith.subi %add3A_217, %sub3A_218 : i32
      %mul3A_220 = arith.constant 80 : i32
      %mul3A_221 = arith.muli %sub3A_219, %mul3A_220 : i32
      %dma_start3A_222 = tpu.memref_slice %arg5[%mul3A_221] : memref<10000xi32, #tpu.memory_space<vmem>> -> memref<80xi32, #tpu.memory_space<vmem>>
      %dma_start3A_223 = arith.constant 0 : i32
      %dma_start3A_224 = arith.constant 0 : i32
      %dma_start3A_225 = tpu.memref_slice %arg2[%dma_start3A_223, %dma_start3A_224] : memref<10000x128xbf16, #tpu.memory_space<hbm>> -> memref<10000x128xbf16, #tpu.memory_space<hbm>>
      tpu.enqueue_indirect_dma source(%dma_start3A_225 : memref<10000x128xbf16, #tpu.memory_space<hbm>>) target(%arg8 : memref<80x128xbf16, #tpu.memory_space<vmem>>) offsets(%dma_start3A_222 : memref<80xi32, #tpu.memory_space<vmem>>) semaphore(%arg14 : memref<!tpu.dma_semaphore, #tpu.memory_space<semaphore_mem>>)
      %add3A_226 = arith.constant 2 : i32
      %add3A_227 = arith.addi %add3A_162, %add3A_226 : i32
      %mul3A_228 = arith.constant 80 : i32
      %mul3A_229 = arith.muli %add3A_227, %mul3A_228 : i32
      %dma_wait3A_230 = tpu.memref_slice %arg5[%mul3A_229] : memref<10000xi32, #tpu.memory_space<vmem>> -> memref<80xi32, #tpu.memory_space<vmem>>
      %dma_wait3A_231 = arith.constant 0 : i32
      %dma_wait3A_232 = arith.constant 0 : i32
      %dma_wait3A_233 = tpu.memref_slice %arg2[%dma_wait3A_231, %dma_wait3A_232] : memref<10000x128xbf16, #tpu.memory_space<hbm>> -> memref<10000x128xbf16, #tpu.memory_space<hbm>>
      tpu.wait_indirect_dma semaphore(%arg13 : memref<!tpu.dma_semaphore, #tpu.memory_space<semaphore_mem>>) src(%dma_wait3A_233 : memref<10000x128xbf16, #tpu.memory_space<hbm>>) dst(%arg7 : memref<80x128xbf16, #tpu.memory_space<vmem>>)
      %mul3A_234 = arith.constant 80 : i32
      %mul3A_235 = arith.muli %add3A_227, %mul3A_234 : i32
      %dma_start3A_236 = tpu.memref_slice %arg6[%mul3A_235] : memref<10000xi32, #tpu.memory_space<vmem>> -> memref<80xi32, #tpu.memory_space<vmem>>
      %dma_start3A_237 = arith.constant 0 : i32
      %dma_start3A_238 = arith.constant 0 : i32
      %dma_start3A_239 = tpu.memref_slice %arg10[%dma_start3A_237, %dma_start3A_238] : memref<10000x128xbf16, #tpu.memory_space<vmem_shared>> -> memref<10000x128xbf16, #tpu.memory_space<vmem_shared>>
      tpu.enqueue_indirect_dma source(%arg7 : memref<80x128xbf16, #tpu.memory_space<vmem>>) target(%dma_start3A_239 : memref<10000x128xbf16, #tpu.memory_space<vmem_shared>>) offsets(%dma_start3A_236 : memref<80xi32, #tpu.memory_space<vmem>>) semaphore(%arg16 : memref<!tpu.dma_semaphore, #tpu.memory_space<semaphore_mem>>) {add = true}
      %sub3A_240 = arith.constant 1 : i32
      %sub3A_241 = arith.subi %add3A_227, %sub3A_240 : i32
      %mul3A_242 = arith.constant 80 : i32
      %mul3A_243 = arith.muli %sub3A_241, %mul3A_242 : i32
      %dma_wait3A_244 = tpu.memref_slice %arg6[%mul3A_243] : memref<10000xi32, #tpu.memory_space<vmem>> -> memref<80xi32, #tpu.memory_space<vmem>>
      %dma_wait3A_245 = arith.constant 0 : i32
      %dma_wait3A_246 = arith.constant 0 : i32
      %dma_wait3A_247 = tpu.memref_slice %arg10[%dma_wait3A_245, %dma_wait3A_246] : memref<10000x128xbf16, #tpu.memory_space<vmem_shared>> -> memref<10000x128xbf16, #tpu.memory_space<vmem_shared>>
      tpu.wait_indirect_dma semaphore(%arg18 : memref<!tpu.dma_semaphore, #tpu.memory_space<semaphore_mem>>) src(%arg9 : memref<80x128xbf16, #tpu.memory_space<vmem>>) dst(%dma_wait3A_247 : memref<10000x128xbf16, #tpu.memory_space<vmem_shared>>)
      %add3A_248 = arith.constant 3 : i32
      %add3A_249 = arith.addi %add3A_227, %add3A_248 : i32
      %sub3A_250 = arith.constant 1 : i32
      %sub3A_251 = arith.subi %add3A_249, %sub3A_250 : i32
      %mul3A_252 = arith.constant 80 : i32
      %mul3A_253 = arith.muli %sub3A_251, %mul3A_252 : i32
      %dma_start3A_254 = tpu.memref_slice %arg5[%mul3A_253] : memref<10000xi32, #tpu.memory_space<vmem>> -> memref<80xi32, #tpu.memory_space<vmem>>
      %dma_start3A_255 = arith.constant 0 : i32
      %dma_start3A_256 = arith.constant 0 : i32
      %dma_start3A_257 = tpu.memref_slice %arg2[%dma_start3A_255, %dma_start3A_256] : memref<10000x128xbf16, #tpu.memory_space<hbm>> -> memref<10000x128xbf16, #tpu.memory_space<hbm>>
      tpu.enqueue_indirect_dma source(%dma_start3A_257 : memref<10000x128xbf16, #tpu.memory_space<hbm>>) target(%arg9 : memref<80x128xbf16, #tpu.memory_space<vmem>>) offsets(%dma_start3A_254 : memref<80xi32, #tpu.memory_space<vmem>>) semaphore(%arg15 : memref<!tpu.dma_semaphore, #tpu.memory_space<semaphore_mem>>)
    }
    %scan3A_34 = arith.constant 40 : i32
    %dma_wait3A_35 = arith.constant 9680 : i32
    %dma_wait3A_36 = tpu.memref_slice %arg5[%dma_wait3A_35] : memref<10000xi32, #tpu.memory_space<vmem>> -> memref<80xi32, #tpu.memory_space<vmem>>
    %dma_wait3A_37 = arith.constant 0 : i32
    %dma_wait3A_38 = arith.constant 0 : i32
    %dma_wait3A_39 = tpu.memref_slice %arg2[%dma_wait3A_37, %dma_wait3A_38] : memref<10000x128xbf16, #tpu.memory_space<hbm>> -> memref<10000x128xbf16, #tpu.memory_space<hbm>>
    tpu.wait_indirect_dma semaphore(%arg14 : memref<!tpu.dma_semaphore, #tpu.memory_space<semaphore_mem>>) src(%dma_wait3A_39 : memref<10000x128xbf16, #tpu.memory_space<hbm>>) dst(%arg8 : memref<80x128xbf16, #tpu.memory_space<vmem>>)
    %dma_start3A_40 = arith.constant 9680 : i32
    %dma_start3A_41 = tpu.memref_slice %arg6[%dma_start3A_40] : memref<10000xi32, #tpu.memory_space<vmem>> -> memref<80xi32, #tpu.memory_space<vmem>>
    %dma_start3A_42 = arith.constant 0 : i32
    %dma_start3A_43 = arith.constant 0 : i32
    %dma_start3A_44 = tpu.memref_slice %arg10[%dma_start3A_42, %dma_start3A_43] : memref<10000x128xbf16, #tpu.memory_space<vmem_shared>> -> memref<10000x128xbf16, #tpu.memory_space<vmem_shared>>
    tpu.enqueue_indirect_dma source(%arg8 : memref<80x128xbf16, #tpu.memory_space<vmem>>) target(%dma_start3A_44 : memref<10000x128xbf16, #tpu.memory_space<vmem_shared>>) offsets(%dma_start3A_41 : memref<80xi32, #tpu.memory_space<vmem>>) semaphore(%arg17 : memref<!tpu.dma_semaphore, #tpu.memory_space<semaphore_mem>>) {add = true}
    %dma_wait3A_45 = arith.constant 9600 : i32
    %dma_wait3A_46 = tpu.memref_slice %arg6[%dma_wait3A_45] : memref<10000xi32, #tpu.memory_space<vmem>> -> memref<80xi32, #tpu.memory_space<vmem>>
    %dma_wait3A_47 = arith.constant 0 : i32
    %dma_wait3A_48 = arith.constant 0 : i32
    %dma_wait3A_49 = tpu.memref_slice %arg10[%dma_wait3A_47, %dma_wait3A_48] : memref<10000x128xbf16, #tpu.memory_space<vmem_shared>> -> memref<10000x128xbf16, #tpu.memory_space<vmem_shared>>
    tpu.wait_indirect_dma semaphore(%arg16 : memref<!tpu.dma_semaphore, #tpu.memory_space<semaphore_mem>>) src(%arg7 : memref<80x128xbf16, #tpu.memory_space<vmem>>) dst(%dma_wait3A_49 : memref<10000x128xbf16, #tpu.memory_space<vmem_shared>>)
    %dma_start3A_50 = arith.constant 9840 : i32
    %dma_start3A_51 = tpu.memref_slice %arg5[%dma_start3A_50] : memref<10000xi32, #tpu.memory_space<vmem>> -> memref<80xi32, #tpu.memory_space<vmem>>
    %dma_start3A_52 = arith.constant 0 : i32
    %dma_start3A_53 = arith.constant 0 : i32
    %dma_start3A_54 = tpu.memref_slice %arg2[%dma_start3A_52, %dma_start3A_53] : memref<10000x128xbf16, #tpu.memory_space<hbm>> -> memref<10000x128xbf16, #tpu.memory_space<hbm>>
    tpu.enqueue_indirect_dma source(%dma_start3A_54 : memref<10000x128xbf16, #tpu.memory_space<hbm>>) target(%arg7 : memref<80x128xbf16, #tpu.memory_space<vmem>>) offsets(%dma_start3A_51 : memref<80xi32, #tpu.memory_space<vmem>>) semaphore(%arg13 : memref<!tpu.dma_semaphore, #tpu.memory_space<semaphore_mem>>)
    %dma_wait3A_55 = arith.constant 9760 : i32
    %dma_wait3A_56 = tpu.memref_slice %arg5[%dma_wait3A_55] : memref<10000xi32, #tpu.memory_space<vmem>> -> memref<80xi32, #tpu.memory_space<vmem>>
    %dma_wait3A_57 = arith.constant 0 : i32
    %dma_wait3A_58 = arith.constant 0 : i32
    %dma_wait3A_59 = tpu.memref_slice %arg2[%dma_wait3A_57, %dma_wait3A_58] : memref<10000x128xbf16, #tpu.memory_space<hbm>> -> memref<10000x128xbf16, #tpu.memory_space<hbm>>
    tpu.wait_indirect_dma semaphore(%arg15 : memref<!tpu.dma_semaphore, #tpu.memory_space<semaphore_mem>>) src(%dma_wait3A_59 : memref<10000x128xbf16, #tpu.memory_space<hbm>>) dst(%arg9 : memref<80x128xbf16, #tpu.memory_space<vmem>>)
    %dma_start3A_60 = arith.constant 9760 : i32
    %dma_start3A_61 = tpu.memref_slice %arg6[%dma_start3A_60] : memref<10000xi32, #tpu.memory_space<vmem>> -> memref<80xi32, #tpu.memory_space<vmem>>
    %dma_start3A_62 = arith.constant 0 : i32
    %dma_start3A_63 = arith.constant 0 : i32
    %dma_start3A_64 = tpu.memref_slice %arg10[%dma_start3A_62, %dma_start3A_63] : memref<10000x128xbf16, #tpu.memory_space<vmem_shared>> -> memref<10000x128xbf16, #tpu.memory_space<vmem_shared>>
    tpu.enqueue_indirect_dma source(%arg9 : memref<80x128xbf16, #tpu.memory_space<vmem>>) target(%dma_start3A_64 : memref<10000x128xbf16, #tpu.memory_space<vmem_shared>>) offsets(%dma_start3A_61 : memref<80xi32, #tpu.memory_space<vmem>>) semaphore(%arg18 : memref<!tpu.dma_semaphore, #tpu.memory_space<semaphore_mem>>) {add = true}
    %dma_wait3A_65 = arith.constant 9680 : i32
    %dma_wait3A_66 = tpu.memref_slice %arg6[%dma_wait3A_65] : memref<10000xi32, #tpu.memory_space<vmem>> -> memref<80xi32, #tpu.memory_space<vmem>>
    %dma_wait3A_67 = arith.constant 0 : i32
    %dma_wait3A_68 = arith.constant 0 : i32
    %dma_wait3A_69 = tpu.memref_slice %arg10[%dma_wait3A_67, %dma_wait3A_68] : memref<10000x128xbf16, #tpu.memory_space<vmem_shared>> -> memref<10000x128xbf16, #tpu.memory_space<vmem_shared>>
    tpu.wait_indirect_dma semaphore(%arg17 : memref<!tpu.dma_semaphore, #tpu.memory_space<semaphore_mem>>) src(%arg8 : memref<80x128xbf16, #tpu.memory_space<vmem>>) dst(%dma_wait3A_69 : memref<10000x128xbf16, #tpu.memory_space<vmem_shared>>)
    %dma_start3A_70 = arith.constant 9920 : i32
    %dma_start3A_71 = tpu.memref_slice %arg5[%dma_start3A_70] : memref<10000xi32, #tpu.memory_space<vmem>> -> memref<80xi32, #tpu.memory_space<vmem>>
    %dma_start3A_72 = arith.constant 0 : i32
    %dma_start3A_73 = arith.constant 0 : i32
    %dma_start3A_74 = tpu.memref_slice %arg2[%dma_start3A_72, %dma_start3A_73] : memref<10000x128xbf16, #tpu.memory_space<hbm>> -> memref<10000x128xbf16, #tpu.memory_space<hbm>>
    tpu.enqueue_indirect_dma source(%dma_start3A_74 : memref<10000x128xbf16, #tpu.memory_space<hbm>>) target(%arg8 : memref<80x128xbf16, #tpu.memory_space<vmem>>) offsets(%dma_start3A_71 : memref<80xi32, #tpu.memory_space<vmem>>) semaphore(%arg14 : memref<!tpu.dma_semaphore, #tpu.memory_space<semaphore_mem>>)
    %dma_wait3A_75 = arith.constant 9840 : i32
    %dma_wait3A_76 = tpu.memref_slice %arg5[%dma_wait3A_75] : memref<10000xi32, #tpu.memory_space<vmem>> -> memref<80xi32, #tpu.memory_space<vmem>>
    %dma_wait3A_77 = arith.constant 0 : i32
    %dma_wait3A_78 = arith.constant 0 : i32
    %dma_wait3A_79 = tpu.memref_slice %arg2[%dma_wait3A_77, %dma_wait3A_78] : memref<10000x128xbf16, #tpu.memory_space<hbm>> -> memref<10000x128xbf16, #tpu.memory_space<hbm>>
    tpu.wait_indirect_dma semaphore(%arg13 : memref<!tpu.dma_semaphore, #tpu.memory_space<semaphore_mem>>) src(%dma_wait3A_79 : memref<10000x128xbf16, #tpu.memory_space<hbm>>) dst(%arg7 : memref<80x128xbf16, #tpu.memory_space<vmem>>)
    %dma_start3A_80 = arith.constant 9840 : i32
    %dma_start3A_81 = tpu.memref_slice %arg6[%dma_start3A_80] : memref<10000xi32, #tpu.memory_space<vmem>> -> memref<80xi32, #tpu.memory_space<vmem>>
    %dma_start3A_82 = arith.constant 0 : i32
    %dma_start3A_83 = arith.constant 0 : i32
    %dma_start3A_84 = tpu.memref_slice %arg10[%dma_start3A_82, %dma_start3A_83] : memref<10000x128xbf16, #tpu.memory_space<vmem_shared>> -> memref<10000x128xbf16, #tpu.memory_space<vmem_shared>>
    tpu.enqueue_indirect_dma source(%arg7 : memref<80x128xbf16, #tpu.memory_space<vmem>>) target(%dma_start3A_84 : memref<10000x128xbf16, #tpu.memory_space<vmem_shared>>) offsets(%dma_start3A_81 : memref<80xi32, #tpu.memory_space<vmem>>) semaphore(%arg16 : memref<!tpu.dma_semaphore, #tpu.memory_space<semaphore_mem>>) {add = true}
    %dma_wait3A_85 = arith.constant 9760 : i32
    %dma_wait3A_86 = tpu.memref_slice %arg6[%dma_wait3A_85] : memref<10000xi32, #tpu.memory_space<vmem>> -> memref<80xi32, #tpu.memory_space<vmem>>
    %dma_wait3A_87 = arith.constant 0 : i32
    %dma_wait3A_88 = arith.constant 0 : i32
    %dma_wait3A_89 = tpu.memref_slice %arg10[%dma_wait3A_87, %dma_wait3A_88] : memref<10000x128xbf16, #tpu.memory_space<vmem_shared>> -> memref<10000x128xbf16, #tpu.memory_space<vmem_shared>>
    tpu.wait_indirect_dma semaphore(%arg18 : memref<!tpu.dma_semaphore, #tpu.memory_space<semaphore_mem>>) src(%arg9 : memref<80x128xbf16, #tpu.memory_space<vmem>>) dst(%dma_wait3A_89 : memref<10000x128xbf16, #tpu.memory_space<vmem_shared>>)
    %dma_wait3A_90 = arith.constant 9920 : i32
    %dma_wait3A_91 = tpu.memref_slice %arg5[%dma_wait3A_90] : memref<10000xi32, #tpu.memory_space<vmem>> -> memref<80xi32, #tpu.memory_space<vmem>>
    %dma_wait3A_92 = arith.constant 0 : i32
    %dma_wait3A_93 = arith.constant 0 : i32
    %dma_wait3A_94 = tpu.memref_slice %arg2[%dma_wait3A_92, %dma_wait3A_93] : memref<10000x128xbf16, #tpu.memory_space<hbm>> -> memref<10000x128xbf16, #tpu.memory_space<hbm>>
    tpu.wait_indirect_dma semaphore(%arg14 : memref<!tpu.dma_semaphore, #tpu.memory_space<semaphore_mem>>) src(%dma_wait3A_94 : memref<10000x128xbf16, #tpu.memory_space<hbm>>) dst(%arg8 : memref<80x128xbf16, #tpu.memory_space<vmem>>)
    %dma_start3A_95 = arith.constant 9920 : i32
    %dma_start3A_96 = tpu.memref_slice %arg6[%dma_start3A_95] : memref<10000xi32, #tpu.memory_space<vmem>> -> memref<80xi32, #tpu.memory_space<vmem>>
    %dma_start3A_97 = arith.constant 0 : i32
    %dma_start3A_98 = arith.constant 0 : i32
    %dma_start3A_99 = tpu.memref_slice %arg10[%dma_start3A_97, %dma_start3A_98] : memref<10000x128xbf16, #tpu.memory_space<vmem_shared>> -> memref<10000x128xbf16, #tpu.memory_space<vmem_shared>>
    tpu.enqueue_indirect_dma source(%arg8 : memref<80x128xbf16, #tpu.memory_space<vmem>>) target(%dma_start3A_99 : memref<10000x128xbf16, #tpu.memory_space<vmem_shared>>) offsets(%dma_start3A_96 : memref<80xi32, #tpu.memory_space<vmem>>) semaphore(%arg17 : memref<!tpu.dma_semaphore, #tpu.memory_space<semaphore_mem>>) {add = true}
    %dma_wait3A_100 = arith.constant 9840 : i32
    %dma_wait3A_101 = tpu.memref_slice %arg6[%dma_wait3A_100] : memref<10000xi32, #tpu.memory_space<vmem>> -> memref<80xi32, #tpu.memory_space<vmem>>
    %dma_wait3A_102 = arith.constant 0 : i32
    %dma_wait3A_103 = arith.constant 0 : i32
    %dma_wait3A_104 = tpu.memref_slice %arg10[%dma_wait3A_102, %dma_wait3A_103] : memref<10000x128xbf16, #tpu.memory_space<vmem_shared>> -> memref<10000x128xbf16, #tpu.memory_space<vmem_shared>>
    tpu.wait_indirect_dma semaphore(%arg16 : memref<!tpu.dma_semaphore, #tpu.memory_space<semaphore_mem>>) src(%arg7 : memref<80x128xbf16, #tpu.memory_space<vmem>>) dst(%dma_wait3A_104 : memref<10000x128xbf16, #tpu.memory_space<vmem_shared>>)
    %dma_wait3A_105 = arith.constant 9920 : i32
    %dma_wait3A_106 = tpu.memref_slice %arg6[%dma_wait3A_105] : memref<10000xi32, #tpu.memory_space<vmem>> -> memref<80xi32, #tpu.memory_space<vmem>>
    %dma_wait3A_107 = arith.constant 0 : i32
    %dma_wait3A_108 = arith.constant 0 : i32
    %dma_wait3A_109 = tpu.memref_slice %arg10[%dma_wait3A_107, %dma_wait3A_108] : memref<10000x128xbf16, #tpu.memory_space<vmem_shared>> -> memref<10000x128xbf16, #tpu.memory_space<vmem_shared>>
    tpu.wait_indirect_dma semaphore(%arg17 : memref<!tpu.dma_semaphore, #tpu.memory_space<semaphore_mem>>) src(%arg8 : memref<80x128xbf16, #tpu.memory_space<vmem>>) dst(%dma_wait3A_109 : memref<10000x128xbf16, #tpu.memory_space<vmem_shared>>)
    %barrier3A_110 = arith.constant 0 : index
    tpu.barrier barrier_id(%barrier3A_110)
    %add3A_111 = arith.constant 0 : i32
    %add3A_112 = arith.addi %mul3A_2, %add3A_111 : i32
    "tpu.region"() ({
      %run_scoped3A_158 = tpu.sem_alloc : memref<!tpu.dma_semaphore, #tpu.memory_space<semaphore_mem>>
      %dma_start3A_159 = arith.constant 0 : i32
      %dma_start3A_160 = arith.constant 0 : i32
      %dma_start3A_161 = tpu.memref_slice %arg11[%dma_start3A_159, %dma_start3A_160] : memref<104x128xbf16, #tpu.memory_space<vmem>> -> memref<104x128xbf16, #tpu.memory_space<vmem>>
      %dma_start3A_162 = arith.constant 0 : i32
      %dma_start3A_163 = tpu.memref_slice %arg10[%add3A_112, %dma_start3A_162] : memref<10000x128xbf16, #tpu.memory_space<vmem_shared>> -> memref<104x128xbf16, #tpu.memory_space<vmem_shared>>
      %dma_start3A_164 = arith.constant 0 : i32
      %dma_start3A_165 = arith.constant 0 : i32
      %dma_start3A_166 = tpu.memref_slice %arg11[%dma_start3A_164, %dma_start3A_165] : memref<104x128xbf16, #tpu.memory_space<vmem>> -> memref<104x128xbf16, #tpu.memory_space<vmem>>
      %dma_start3A_167 = arith.constant 0 : i32
      %dma_start3A_168 = tpu.memref_slice %arg10[%add3A_112, %dma_start3A_167] : memref<10000x128xbf16, #tpu.memory_space<vmem_shared>> -> memref<104x128xbf16, #tpu.memory_space<vmem_shared>>
      tpu.enqueue_dma source(%dma_start3A_168 : memref<104x128xbf16, #tpu.memory_space<vmem_shared>>) target(%dma_start3A_166 : memref<104x128xbf16, #tpu.memory_space<vmem>>) target_semaphore(%run_scoped3A_158 : memref<!tpu.dma_semaphore, #tpu.memory_space<semaphore_mem>>)
      %dma_wait3A_169 = arith.constant 0 : i32
      %dma_wait3A_170 = arith.constant 0 : i32
      %dma_wait3A_171 = tpu.memref_slice %arg11[%dma_wait3A_169, %dma_wait3A_170] : memref<104x128xbf16, #tpu.memory_space<vmem>> -> memref<104x128xbf16, #tpu.memory_space<vmem>>
      %dma_wait3A_172 = arith.constant 0 : i32
      %dma_wait3A_173 = tpu.memref_slice %arg10[%add3A_112, %dma_wait3A_172] : memref<10000x128xbf16, #tpu.memory_space<vmem_shared>> -> memref<104x128xbf16, #tpu.memory_space<vmem_shared>>
      %dma_wait3A_174 = arith.constant 0 : i32
      %dma_wait3A_175 = arith.constant 0 : i32
      %dma_wait3A_176 = tpu.memref_slice %arg11[%dma_wait3A_174, %dma_wait3A_175] : memref<104x128xbf16, #tpu.memory_space<vmem>> -> memref<104x128xbf16, #tpu.memory_space<vmem>>
      %dma_wait3A_177 = arith.constant 0 : i32
      %dma_wait3A_178 = tpu.memref_slice %arg10[%add3A_112, %dma_wait3A_177] : memref<10000x128xbf16, #tpu.memory_space<vmem_shared>> -> memref<104x128xbf16, #tpu.memory_space<vmem_shared>>
      tpu.wait_dma2 semaphore(%run_scoped3A_158 : memref<!tpu.dma_semaphore, #tpu.memory_space<semaphore_mem>>) src(%dma_wait3A_178 : memref<104x128xbf16, #tpu.memory_space<vmem_shared>>) dst(%dma_wait3A_176 : memref<104x128xbf16, #tpu.memory_space<vmem>>)
      tpu.yield
    }) : () -> ()
    %scan3A_113 = arith.constant 0 : i32
    %scan3A_114 = arith.constant 104 : i32
    %scan3A_115 = arith.addi %scan3A_113, %scan3A_114 : i32
    %scan3A_116 = arith.constant 1 : i32
    scf.for %scan3A_158 = %scan3A_113 to %scan3A_115 step %scan3A_116  : i32 {
      %mul3A_159 = arith.constant 1 : i32
      %mul3A_160 = arith.muli %scan3A_158, %mul3A_159 : i32
      %add3A_161 = arith.constant 0 : i32
      %add3A_162 = arith.addi %add3A_161, %mul3A_160 : i32
      %get3A = arith.index_cast %add3A_162 : i32 to index
      %get3A_163 = arith.constant 0 : index
      %get3A_164 = tpu.vector_load %arg11[%get3A, %get3A_163] {strides = array<i32>} : memref<104x128xbf16, #tpu.memory_space<vmem>>, vector<32xbf16>,
      %unpack3A = tpu.unpack_subelements %get3A_164, 0 {pack_format = #tpu.pack_format<interleaved>} : vector<32xbf16> -> vector<16xf32>
      %unpack3A_165 = tpu.unpack_subelements %get3A_164, 1 {pack_format = #tpu.pack_format<interleaved>} : vector<32xbf16> -> vector<16xf32>
      %swap3A = arith.index_cast %add3A_162 : i32 to index
      %swap3A_166 = arith.constant 0 : index
      %swap3A_167 = tpu.vector_load %arg12[%swap3A, %swap3A_166] {strides = array<i32>} : memref<104x128xf32, #tpu.memory_space<vmem>>, vector<16xf32>,
      tpu.vector_store %arg12[%swap3A, %swap3A_166], %unpack3A {strides = array<i32>} : memref<104x128xf32, #tpu.memory_space<vmem>>, vector<16xf32>,
      %swap3A_168 = arith.index_cast %add3A_162 : i32 to index
      %swap3A_169 = arith.constant 16 : index
      %swap3A_170 = tpu.vector_load %arg12[%swap3A_168, %swap3A_169] {strides = array<i32>} : memref<104x128xf32, #tpu.memory_space<vmem>>, vector<16xf32>,
      tpu.vector_store %arg12[%swap3A_168, %swap3A_169], %unpack3A_165 {strides = array<i32>} : memref<104x128xf32, #tpu.memory_space<vmem>>, vector<16xf32>,
      %get3A_171 = arith.index_cast %add3A_162 : i32 to index
      %get3A_172 = arith.constant 32 : index
      %get3A_173 = tpu.vector_load %arg11[%get3A_171, %get3A_172] {strides = array<i32>} : memref<104x128xbf16, #tpu.memory_space<vmem>>, vector<32xbf16>,
      %unpack3A_174 = tpu.unpack_subelements %get3A_173, 0 {pack_format = #tpu.pack_format<interleaved>} : vector<32xbf16> -> vector<16xf32>
      %unpack3A_175 = tpu.unpack_subelements %get3A_173, 1 {pack_format = #tpu.pack_format<interleaved>} : vector<32xbf16> -> vector<16xf32>
      %swap3A_176 = arith.index_cast %add3A_162 : i32 to index
      %swap3A_177 = arith.constant 32 : index
      %swap3A_178 = tpu.vector_load %arg12[%swap3A_176, %swap3A_177] {strides = array<i32>} : memref<104x128xf32, #tpu.memory_space<vmem>>, vector<16xf32>,
      tpu.vector_store %arg12[%swap3A_176, %swap3A_177], %unpack3A_174 {strides = array<i32>} : memref<104x128xf32, #tpu.memory_space<vmem>>, vector<16xf32>,
      %swap3A_179 = arith.index_cast %add3A_162 : i32 to index
      %swap3A_180 = arith.constant 48 : index
      %swap3A_181 = tpu.vector_load %arg12[%swap3A_179, %swap3A_180] {strides = array<i32>} : memref<104x128xf32, #tpu.memory_space<vmem>>, vector<16xf32>,
      tpu.vector_store %arg12[%swap3A_179, %swap3A_180], %unpack3A_175 {strides = array<i32>} : memref<104x128xf32, #tpu.memory_space<vmem>>, vector<16xf32>,
      %get3A_182 = arith.index_cast %add3A_162 : i32 to index
      %get3A_183 = arith.constant 64 : index
      %get3A_184 = tpu.vector_load %arg11[%get3A_182, %get3A_183] {strides = array<i32>} : memref<104x128xbf16, #tpu.memory_space<vmem>>, vector<32xbf16>,
      %unpack3A_185 = tpu.unpack_subelements %get3A_184, 0 {pack_format = #tpu.pack_format<interleaved>} : vector<32xbf16> -> vector<16xf32>
      %unpack3A_186 = tpu.unpack_subelements %get3A_184, 1 {pack_format = #tpu.pack_format<interleaved>} : vector<32xbf16> -> vector<16xf32>
      %swap3A_187 = arith.index_cast %add3A_162 : i32 to index
      %swap3A_188 = arith.constant 64 : index
      %swap3A_189 = tpu.vector_load %arg12[%swap3A_187, %swap3A_188] {strides = array<i32>} : memref<104x128xf32, #tpu.memory_space<vmem>>, vector<16xf32>,
      tpu.vector_store %arg12[%swap3A_187, %swap3A_188], %unpack3A_185 {strides = array<i32>} : memref<104x128xf32, #tpu.memory_space<vmem>>, vector<16xf32>,
      %swap3A_190 = arith.index_cast %add3A_162 : i32 to index
      %swap3A_191 = arith.constant 80 : index
      %swap3A_192 = tpu.vector_load %arg12[%swap3A_190, %swap3A_191] {strides = array<i32>} : memref<104x128xf32, #tpu.memory_space<vmem>>, vector<16xf32>,
      tpu.vector_store %arg12[%swap3A_190, %swap3A_191], %unpack3A_186 {strides = array<i32>} : memref<104x128xf32, #tpu.memory_space<vmem>>, vector<16xf32>,
      %get3A_193 = arith.index_cast %add3A_162 : i32 to index
      %get3A_194 = arith.constant 96 : index
      %get3A_195 = tpu.vector_load %arg11[%get3A_193, %get3A_194] {strides = array<i32>} : memref<104x128xbf16, #tpu.memory_space<vmem>>, vector<32xbf16>,
      %unpack3A_196 = tpu.unpack_subelements %get3A_195, 0 {pack_format = #tpu.pack_format<interleaved>} : vector<32xbf16> -> vector<16xf32>
      %unpack3A_197 = tpu.unpack_subelements %get3A_195, 1 {pack_format = #tpu.pack_format<interleaved>} : vector<32xbf16> -> vector<16xf32>
      %swap3A_198 = arith.index_cast %add3A_162 : i32 to index
      %swap3A_199 = arith.constant 96 : index
      %swap3A_200 = tpu.vector_load %arg12[%swap3A_198, %swap3A_199] {strides = array<i32>} : memref<104x128xf32, #tpu.memory_space<vmem>>, vector<16xf32>,
      tpu.vector_store %arg12[%swap3A_198, %swap3A_199], %unpack3A_196 {strides = array<i32>} : memref<104x128xf32, #tpu.memory_space<vmem>>, vector<16xf32>,
      %swap3A_201 = arith.index_cast %add3A_162 : i32 to index
      %swap3A_202 = arith.constant 112 : index
      %swap3A_203 = tpu.vector_load %arg12[%swap3A_201, %swap3A_202] {strides = array<i32>} : memref<104x128xf32, #tpu.memory_space<vmem>>, vector<16xf32>,
      tpu.vector_store %arg12[%swap3A_201, %swap3A_202], %unpack3A_197 {strides = array<i32>} : memref<104x128xf32, #tpu.memory_space<vmem>>, vector<16xf32>,
    }
    %scan3A_117 = arith.constant 104 : i32
    "tpu.region"() ({
      %run_scoped3A_158 = tpu.sem_alloc : memref<!tpu.dma_semaphore, #tpu.memory_space<semaphore_mem>>
      %dma_start3A_159 = arith.constant 0 : i32
      %dma_start3A_160 = arith.constant 0 : i32
      %dma_start3A_161 = tpu.memref_slice %arg12[%dma_start3A_159, %dma_start3A_160] : memref<104x128xf32, #tpu.memory_space<vmem>> -> memref<104x128xf32, #tpu.memory_space<vmem>>
      %dma_start3A_162 = arith.constant 0 : i32
      %dma_start3A_163 = tpu.memref_slice %arg4[%arg0, %add3A_112, %dma_start3A_162] : memref<2x10000x128xf32, #tpu.memory_space<hbm>> -> memref<1x104x128xf32, #tpu.memory_space<hbm>>
      %dma_start3A_164 = tpu.memref_squeeze %dma_start3A_163 : memref<1x104x128xf32, #tpu.memory_space<hbm>> -> memref<104x128xf32, #tpu.memory_space<hbm>>
      %dma_start3A_165 = arith.constant 0 : i32
      %dma_start3A_166 = tpu.memref_slice %arg4[%arg0, %add3A_112, %dma_start3A_165] : memref<2x10000x128xf32, #tpu.memory_space<hbm>> -> memref<1x104x128xf32, #tpu.memory_space<hbm>>
      %dma_start3A_167 = tpu.memref_squeeze %dma_start3A_166 : memref<1x104x128xf32, #tpu.memory_space<hbm>> -> memref<104x128xf32, #tpu.memory_space<hbm>>
      %dma_start3A_168 = arith.constant 0 : i32
      %dma_start3A_169 = arith.constant 0 : i32
      %dma_start3A_170 = tpu.memref_slice %arg12[%dma_start3A_168, %dma_start3A_169] : memref<104x128xf32, #tpu.memory_space<vmem>> -> memref<104x128xf32, #tpu.memory_space<vmem>>
      tpu.enqueue_dma source(%dma_start3A_170 : memref<104x128xf32, #tpu.memory_space<vmem>>) target(%dma_start3A_167 : memref<104x128xf32, #tpu.memory_space<hbm>>) target_semaphore(%run_scoped3A_158 : memref<!tpu.dma_semaphore, #tpu.memory_space<semaphore_mem>>)
      %dma_wait3A_171 = arith.constant 0 : i32
      %dma_wait3A_172 = arith.constant 0 : i32
      %dma_wait3A_173 = tpu.memref_slice %arg12[%dma_wait3A_171, %dma_wait3A_172] : memref<104x128xf32, #tpu.memory_space<vmem>> -> memref<104x128xf32, #tpu.memory_space<vmem>>
      %dma_wait3A_174 = arith.constant 0 : i32
      %dma_wait3A_175 = tpu.memref_slice %arg4[%arg0, %add3A_112, %dma_wait3A_174] : memref<2x10000x128xf32, #tpu.memory_space<hbm>> -> memref<1x104x128xf32, #tpu.memory_space<hbm>>
      %dma_wait3A_176 = tpu.memref_squeeze %dma_wait3A_175 : memref<1x104x128xf32, #tpu.memory_space<hbm>> -> memref<104x128xf32, #tpu.memory_space<hbm>>
      %dma_wait3A_177 = arith.constant 0 : i32
      %dma_wait3A_178 = tpu.memref_slice %arg4[%arg0, %add3A_112, %dma_wait3A_177] : memref<2x10000x128xf32, #tpu.memory_space<hbm>> -> memref<1x104x128xf32, #tpu.memory_space<hbm>>
      %dma_wait3A_179 = tpu.memref_squeeze %dma_wait3A_178 : memref<1x104x128xf32, #tpu.memory_space<hbm>> -> memref<104x128xf32, #tpu.memory_space<hbm>>
      %dma_wait3A_180 = arith.constant 0 : i32
      %dma_wait3A_181 = arith.constant 0 : i32
      %dma_wait3A_182 = tpu.memref_slice %arg12[%dma_wait3A_180, %dma_wait3A_181] : memref<104x128xf32, #tpu.memory_space<vmem>> -> memref<104x128xf32, #tpu.memory_space<vmem>>
      tpu.wait_dma2 semaphore(%run_scoped3A_158 : memref<!tpu.dma_semaphore, #tpu.memory_space<semaphore_mem>>) src(%dma_wait3A_182 : memref<104x128xf32, #tpu.memory_space<vmem>>) dst(%dma_wait3A_179 : memref<104x128xf32, #tpu.memory_space<hbm>>)
      tpu.yield
    }) : () -> ()
    %add3A_118 = arith.constant 104 : i32
    %add3A_119 = arith.addi %mul3A_2, %add3A_118 : i32
    "tpu.region"() ({
      %run_scoped3A_158 = tpu.sem_alloc : memref<!tpu.dma_semaphore, #tpu.memory_space<semaphore_mem>>
      %dma_start3A_159 = arith.constant 0 : i32
      %dma_start3A_160 = arith.constant 0 : i32
      %dma_start3A_161 = tpu.memref_slice %arg11[%dma_start3A_159, %dma_start3A_160] : memref<104x128xbf16, #tpu.memory_space<vmem>> -> memref<104x128xbf16, #tpu.memory_space<vmem>>
      %dma_start3A_162 = arith.constant 0 : i32
      %dma_start3A_163 = tpu.memref_slice %arg10[%add3A_119, %dma_start3A_162] : memref<10000x128xbf16, #tpu.memory_space<vmem_shared>> -> memref<104x128xbf16, #tpu.memory_space<vmem_shared>>
      %dma_start3A_164 = arith.constant 0 : i32
      %dma_start3A_165 = arith.constant 0 : i32
      %dma_start3A_166 = tpu.memref_slice %arg11[%dma_start3A_164, %dma_start3A_165] : memref<104x128xbf16, #tpu.memory_space<vmem>> -> memref<104x128xbf16, #tpu.memory_space<vmem>>
      %dma_start3A_167 = arith.constant 0 : i32
      %dma_start3A_168 = tpu.memref_slice %arg10[%add3A_119, %dma_start3A_167] : memref<10000x128xbf16, #tpu.memory_space<vmem_shared>> -> memref<104x128xbf16, #tpu.memory_space<vmem_shared>>
      tpu.enqueue_dma source(%dma_start3A_168 : memref<104x128xbf16, #tpu.memory_space<vmem_shared>>) target(%dma_start3A_166 : memref<104x128xbf16, #tpu.memory_space<vmem>>) target_semaphore(%run_scoped3A_158 : memref<!tpu.dma_semaphore, #tpu.memory_space<semaphore_mem>>)
      %dma_wait3A_169 = arith.constant 0 : i32
      %dma_wait3A_170 = arith.constant 0 : i32
      %dma_wait3A_171 = tpu.memref_slice %arg11[%dma_wait3A_169, %dma_wait3A_170] : memref<104x128xbf16, #tpu.memory_space<vmem>> -> memref<104x128xbf16, #tpu.memory_space<vmem>>
      %dma_wait3A_172 = arith.constant 0 : i32
      %dma_wait3A_173 = tpu.memref_slice %arg10[%add3A_119, %dma_wait3A_172] : memref<10000x128xbf16, #tpu.memory_space<vmem_shared>> -> memref<104x128xbf16, #tpu.memory_space<vmem_shared>>
      %dma_wait3A_174 = arith.constant 0 : i32
      %dma_wait3A_175 = arith.constant 0 : i32
      %dma_wait3A_176 = tpu.memref_slice %arg11[%dma_wait3A_174, %dma_wait3A_175] : memref<104x128xbf16, #tpu.memory_space<vmem>> -> memref<104x128xbf16, #tpu.memory_space<vmem>>
      %dma_wait3A_177 = arith.constant 0 : i32
      %dma_wait3A_178 = tpu.memref_slice %arg10[%add3A_119, %dma_wait3A_177] : memref<10000x128xbf16, #tpu.memory_space<vmem_shared>> -> memref<104x128xbf16, #tpu.memory_space<vmem_shared>>
      tpu.wait_dma2 semaphore(%run_scoped3A_158 : memref<!tpu.dma_semaphore, #tpu.memory_space<semaphore_mem>>) src(%dma_wait3A_178 : memref<104x128xbf16, #tpu.memory_space<vmem_shared>>) dst(%dma_wait3A_176 : memref<104x128xbf16, #tpu.memory_space<vmem>>)
      tpu.yield
    }) : () -> ()
    %scan3A_120 = arith.constant 0 : i32
    %scan3A_121 = arith.constant 104 : i32
    %scan3A_122 = arith.addi %scan3A_120, %scan3A_121 : i32
    %scan3A_123 = arith.constant 1 : i32
    scf.for %scan3A_158 = %scan3A_120 to %scan3A_122 step %scan3A_123  : i32 {
      %mul3A_159 = arith.constant 1 : i32
      %mul3A_160 = arith.muli %scan3A_158, %mul3A_159 : i32
      %add3A_161 = arith.constant 0 : i32
      %add3A_162 = arith.addi %add3A_161, %mul3A_160 : i32
      %get3A = arith.index_cast %add3A_162 : i32 to index
      %get3A_163 = arith.constant 0 : index
      %get3A_164 = tpu.vector_load %arg11[%get3A, %get3A_163] {strides = array<i32>} : memref<104x128xbf16, #tpu.memory_space<vmem>>, vector<32xbf16>,
      %unpack3A = tpu.unpack_subelements %get3A_164, 0 {pack_format = #tpu.pack_format<interleaved>} : vector<32xbf16> -> vector<16xf32>
      %unpack3A_165 = tpu.unpack_subelements %get3A_164, 1 {pack_format = #tpu.pack_format<interleaved>} : vector<32xbf16> -> vector<16xf32>
      %swap3A = arith.index_cast %add3A_162 : i32 to index
      %swap3A_166 = arith.constant 0 : index
      %swap3A_167 = tpu.vector_load %arg12[%swap3A, %swap3A_166] {strides = array<i32>} : memref<104x128xf32, #tpu.memory_space<vmem>>, vector<16xf32>,
      tpu.vector_store %arg12[%swap3A, %swap3A_166], %unpack3A {strides = array<i32>} : memref<104x128xf32, #tpu.memory_space<vmem>>, vector<16xf32>,
      %swap3A_168 = arith.index_cast %add3A_162 : i32 to index
      %swap3A_169 = arith.constant 16 : index
      %swap3A_170 = tpu.vector_load %arg12[%swap3A_168, %swap3A_169] {strides = array<i32>} : memref<104x128xf32, #tpu.memory_space<vmem>>, vector<16xf32>,
      tpu.vector_store %arg12[%swap3A_168, %swap3A_169], %unpack3A_165 {strides = array<i32>} : memref<104x128xf32, #tpu.memory_space<vmem>>, vector<16xf32>,
      %get3A_171 = arith.index_cast %add3A_162 : i32 to index
      %get3A_172 = arith.constant 32 : index
      %get3A_173 = tpu.vector_load %arg11[%get3A_171, %get3A_172] {strides = array<i32>} : memref<104x128xbf16, #tpu.memory_space<vmem>>, vector<32xbf16>,
      %unpack3A_174 = tpu.unpack_subelements %get3A_173, 0 {pack_format = #tpu.pack_format<interleaved>} : vector<32xbf16> -> vector<16xf32>
      %unpack3A_175 = tpu.unpack_subelements %get3A_173, 1 {pack_format = #tpu.pack_format<interleaved>} : vector<32xbf16> -> vector<16xf32>
      %swap3A_176 = arith.index_cast %add3A_162 : i32 to index
      %swap3A_177 = arith.constant 32 : index
      %swap3A_178 = tpu.vector_load %arg12[%swap3A_176, %swap3A_177] {strides = array<i32>} : memref<104x128xf32, #tpu.memory_space<vmem>>, vector<16xf32>,
      tpu.vector_store %arg12[%swap3A_176, %swap3A_177], %unpack3A_174 {strides = array<i32>} : memref<104x128xf32, #tpu.memory_space<vmem>>, vector<16xf32>,
      %swap3A_179 = arith.index_cast %add3A_162 : i32 to index
      %swap3A_180 = arith.constant 48 : index
      %swap3A_181 = tpu.vector_load %arg12[%swap3A_179, %swap3A_180] {strides = array<i32>} : memref<104x128xf32, #tpu.memory_space<vmem>>, vector<16xf32>,
      tpu.vector_store %arg12[%swap3A_179, %swap3A_180], %unpack3A_175 {strides = array<i32>} : memref<104x128xf32, #tpu.memory_space<vmem>>, vector<16xf32>,
      %get3A_182 = arith.index_cast %add3A_162 : i32 to index
      %get3A_183 = arith.constant 64 : index
      %get3A_184 = tpu.vector_load %arg11[%get3A_182, %get3A_183] {strides = array<i32>} : memref<104x128xbf16, #tpu.memory_space<vmem>>, vector<32xbf16>,
      %unpack3A_185 = tpu.unpack_subelements %get3A_184, 0 {pack_format = #tpu.pack_format<interleaved>} : vector<32xbf16> -> vector<16xf32>
      %unpack3A_186 = tpu.unpack_subelements %get3A_184, 1 {pack_format = #tpu.pack_format<interleaved>} : vector<32xbf16> -> vector<16xf32>
      %swap3A_187 = arith.index_cast %add3A_162 : i32 to index
      %swap3A_188 = arith.constant 64 : index
      %swap3A_189 = tpu.vector_load %arg12[%swap3A_187, %swap3A_188] {strides = array<i32>} : memref<104x128xf32, #tpu.memory_space<vmem>>, vector<16xf32>,
      tpu.vector_store %arg12[%swap3A_187, %swap3A_188], %unpack3A_185 {strides = array<i32>} : memref<104x128xf32, #tpu.memory_space<vmem>>, vector<16xf32>,
      %swap3A_190 = arith.index_cast %add3A_162 : i32 to index
      %swap3A_191 = arith.constant 80 : index
      %swap3A_192 = tpu.vector_load %arg12[%swap3A_190, %swap3A_191] {strides = array<i32>} : memref<104x128xf32, #tpu.memory_space<vmem>>, vector<16xf32>,
      tpu.vector_store %arg12[%swap3A_190, %swap3A_191], %unpack3A_186 {strides = array<i32>} : memref<104x128xf32, #tpu.memory_space<vmem>>, vector<16xf32>,
      %get3A_193 = arith.index_cast %add3A_162 : i32 to index
      %get3A_194 = arith.constant 96 : index
      %get3A_195 = tpu.vector_load %arg11[%get3A_193, %get3A_194] {strides = array<i32>} : memref<104x128xbf16, #tpu.memory_space<vmem>>, vector<32xbf16>,
      %unpack3A_196 = tpu.unpack_subelements %get3A_195, 0 {pack_format = #tpu.pack_format<interleaved>} : vector<32xbf16> -> vector<16xf32>
      %unpack3A_197 = tpu.unpack_subelements %get3A_195, 1 {pack_format = #tpu.pack_format<interleaved>} : vector<32xbf16> -> vector<16xf32>
      %swap3A_198 = arith.index_cast %add3A_162 : i32 to index
      %swap3A_199 = arith.constant 96 : index
      %swap3A_200 = tpu.vector_load %arg12[%swap3A_198, %swap3A_199] {strides = array<i32>} : memref<104x128xf32, #tpu.memory_space<vmem>>, vector<16xf32>,
      tpu.vector_store %arg12[%swap3A_198, %swap3A_199], %unpack3A_196 {strides = array<i32>} : memref<104x128xf32, #tpu.memory_space<vmem>>, vector<16xf32>,
      %swap3A_201 = arith.index_cast %add3A_162 : i32 to index
      %swap3A_202 = arith.constant 112 : index
      %swap3A_203 = tpu.vector_load %arg12[%swap3A_201, %swap3A_202] {strides = array<i32>} : memref<104x128xf32, #tpu.memory_space<vmem>>, vector<16xf32>,
      tpu.vector_store %arg12[%swap3A_201, %swap3A_202], %unpack3A_197 {strides = array<i32>} : memref<104x128xf32, #tpu.memory_space<vmem>>, vector<16xf32>,
    }
    %scan3A_124 = arith.constant 104 : i32
    "tpu.region"() ({
      %run_scoped3A_158 = tpu.sem_alloc : memref<!tpu.dma_semaphore, #tpu.memory_space<semaphore_mem>>
      %dma_start3A_159 = arith.constant 0 : i32
      %dma_start3A_160 = arith.constant 0 : i32
      %dma_start3A_161 = tpu.memref_slice %arg12[%dma_start3A_159, %dma_start3A_160] : memref<104x128xf32, #tpu.memory_space<vmem>> -> memref<104x128xf32, #tpu.memory_space<vmem>>
      %dma_start3A_162 = arith.constant 0 : i32
      %dma_start3A_163 = tpu.memref_slice %arg4[%arg0, %add3A_119, %dma_start3A_162] : memref<2x10000x128xf32, #tpu.memory_space<hbm>> -> memref<1x104x128xf32, #tpu.memory_space<hbm>>
      %dma_start3A_164 = tpu.memref_squeeze %dma_start3A_163 : memref<1x104x128xf32, #tpu.memory_space<hbm>> -> memref<104x128xf32, #tpu.memory_space<hbm>>
      %dma_start3A_165 = arith.constant 0 : i32
      %dma_start3A_166 = tpu.memref_slice %arg4[%arg0, %add3A_119, %dma_start3A_165] : memref<2x10000x128xf32, #tpu.memory_space<hbm>> -> memref<1x104x128xf32, #tpu.memory_space<hbm>>
      %dma_start3A_167 = tpu.memref_squeeze %dma_start3A_166 : memref<1x104x128xf32, #tpu.memory_space<hbm>> -> memref<104x128xf32, #tpu.memory_space<hbm>>
      %dma_start3A_168 = arith.constant 0 : i32
      %dma_start3A_169 = arith.constant 0 : i32
      %dma_start3A_170 = tpu.memref_slice %arg12[%dma_start3A_168, %dma_start3A_169] : memref<104x128xf32, #tpu.memory_space<vmem>> -> memref<104x128xf32, #tpu.memory_space<vmem>>
      tpu.enqueue_dma source(%dma_start3A_170 : memref<104x128xf32, #tpu.memory_space<vmem>>) target(%dma_start3A_167 : memref<104x128xf32, #tpu.memory_space<hbm>>) target_semaphore(%run_scoped3A_158 : memref<!tpu.dma_semaphore, #tpu.memory_space<semaphore_mem>>)
      %dma_wait3A_171 = arith.constant 0 : i32
      %dma_wait3A_172 = arith.constant 0 : i32
      %dma_wait3A_173 = tpu.memref_slice %arg12[%dma_wait3A_171, %dma_wait3A_172] : memref<104x128xf32, #tpu.memory_space<vmem>> -> memref<104x128xf32, #tpu.memory_space<vmem>>
      %dma_wait3A_174 = arith.constant 0 : i32
      %dma_wait3A_175 = tpu.memref_slice %arg4[%arg0, %add3A_119, %dma_wait3A_174] : memref<2x10000x128xf32, #tpu.memory_space<hbm>> -> memref<1x104x128xf32, #tpu.memory_space<hbm>>
      %dma_wait3A_176 = tpu.memref_squeeze %dma_wait3A_175 : memref<1x104x128xf32, #tpu.memory_space<hbm>> -> memref<104x128xf32, #tpu.memory_space<hbm>>
      %dma_wait3A_177 = arith.constant 0 : i32
      %dma_wait3A_178 = tpu.memref_slice %arg4[%arg0, %add3A_119, %dma_wait3A_177] : memref<2x10000x128xf32, #tpu.memory_space<hbm>> -> memref<1x104x128xf32, #tpu.memory_space<hbm>>
      %dma_wait3A_179 = tpu.memref_squeeze %dma_wait3A_178 : memref<1x104x128xf32, #tpu.memory_space<hbm>> -> memref<104x128xf32, #tpu.memory_space<hbm>>
      %dma_wait3A_180 = arith.constant 0 : i32
      %dma_wait3A_181 = arith.constant 0 : i32
      %dma_wait3A_182 = tpu.memref_slice %arg12[%dma_wait3A_180, %dma_wait3A_181] : memref<104x128xf32, #tpu.memory_space<vmem>> -> memref<104x128xf32, #tpu.memory_space<vmem>>
      tpu.wait_dma2 semaphore(%run_scoped3A_158 : memref<!tpu.dma_semaphore, #tpu.memory_space<semaphore_mem>>) src(%dma_wait3A_182 : memref<104x128xf32, #tpu.memory_space<vmem>>) dst(%dma_wait3A_179 : memref<104x128xf32, #tpu.memory_space<hbm>>)
      tpu.yield
    }) : () -> ()
    %add3A_125 = arith.constant 208 : i32
    %add3A_126 = arith.addi %mul3A_2, %add3A_125 : i32
    "tpu.region"() ({
      %run_scoped3A_158 = tpu.sem_alloc : memref<!tpu.dma_semaphore, #tpu.memory_space<semaphore_mem>>
      %dma_start3A_159 = arith.constant 0 : i32
      %dma_start3A_160 = arith.constant 0 : i32
      %dma_start3A_161 = tpu.memref_slice %arg11[%dma_start3A_159, %dma_start3A_160] : memref<104x128xbf16, #tpu.memory_space<vmem>> -> memref<104x128xbf16, #tpu.memory_space<vmem>>
      %dma_start3A_162 = arith.constant 0 : i32
      %dma_start3A_163 = tpu.memref_slice %arg10[%add3A_126, %dma_start3A_162] : memref<10000x128xbf16, #tpu.memory_space<vmem_shared>> -> memref<104x128xbf16, #tpu.memory_space<vmem_shared>>
      %dma_start3A_164 = arith.constant 0 : i32
      %dma_start3A_165 = arith.constant 0 : i32
      %dma_start3A_166 = tpu.memref_slice %arg11[%dma_start3A_164, %dma_start3A_165] : memref<104x128xbf16, #tpu.memory_space<vmem>> -> memref<104x128xbf16, #tpu.memory_space<vmem>>
      %dma_start3A_167 = arith.constant 0 : i32
      %dma_start3A_168 = tpu.memref_slice %arg10[%add3A_126, %dma_start3A_167] : memref<10000x128xbf16, #tpu.memory_space<vmem_shared>> -> memref<104x128xbf16, #tpu.memory_space<vmem_shared>>
      tpu.enqueue_dma source(%dma_start3A_168 : memref<104x128xbf16, #tpu.memory_space<vmem_shared>>) target(%dma_start3A_166 : memref<104x128xbf16, #tpu.memory_space<vmem>>) target_semaphore(%run_scoped3A_158 : memref<!tpu.dma_semaphore, #tpu.memory_space<semaphore_mem>>)
      %dma_wait3A_169 = arith.constant 0 : i32
      %dma_wait3A_170 = arith.constant 0 : i32
      %dma_wait3A_171 = tpu.memref_slice %arg11[%dma_wait3A_169, %dma_wait3A_170] : memref<104x128xbf16, #tpu.memory_space<vmem>> -> memref<104x128xbf16, #tpu.memory_space<vmem>>
      %dma_wait3A_172 = arith.constant 0 : i32
      %dma_wait3A_173 = tpu.memref_slice %arg10[%add3A_126, %dma_wait3A_172] : memref<10000x128xbf16, #tpu.memory_space<vmem_shared>> -> memref<104x128xbf16, #tpu.memory_space<vmem_shared>>
      %dma_wait3A_174 = arith.constant 0 : i32
      %dma_wait3A_175 = arith.constant 0 : i32
      %dma_wait3A_176 = tpu.memref_slice %arg11[%dma_wait3A_174, %dma_wait3A_175] : memref<104x128xbf16, #tpu.memory_space<vmem>> -> memref<104x128xbf16, #tpu.memory_space<vmem>>
      %dma_wait3A_177 = arith.constant 0 : i32
      %dma_wait3A_178 = tpu.memref_slice %arg10[%add3A_126, %dma_wait3A_177] : memref<10000x128xbf16, #tpu.memory_space<vmem_shared>> -> memref<104x128xbf16, #tpu.memory_space<vmem_shared>>
      tpu.wait_dma2 semaphore(%run_scoped3A_158 : memref<!tpu.dma_semaphore, #tpu.memory_space<semaphore_mem>>) src(%dma_wait3A_178 : memref<104x128xbf16, #tpu.memory_space<vmem_shared>>) dst(%dma_wait3A_176 : memref<104x128xbf16, #tpu.memory_space<vmem>>)
      tpu.yield
    }) : () -> ()
    %scan3A_127 = arith.constant 0 : i32
    %scan3A_128 = arith.constant 104 : i32
    %scan3A_129 = arith.addi %scan3A_127, %scan3A_128 : i32
    %scan3A_130 = arith.constant 1 : i32
    scf.for %scan3A_158 = %scan3A_127 to %scan3A_129 step %scan3A_130  : i32 {
      %mul3A_159 = arith.constant 1 : i32
      %mul3A_160 = arith.muli %scan3A_158, %mul3A_159 : i32
      %add3A_161 = arith.constant 0 : i32
      %add3A_162 = arith.addi %add3A_161, %mul3A_160 : i32
      %get3A = arith.index_cast %add3A_162 : i32 to index
      %get3A_163 = arith.constant 0 : index
      %get3A_164 = tpu.vector_load %arg11[%get3A, %get3A_163] {strides = array<i32>} : memref<104x128xbf16, #tpu.memory_space<vmem>>, vector<32xbf16>,
      %unpack3A = tpu.unpack_subelements %get3A_164, 0 {pack_format = #tpu.pack_format<interleaved>} : vector<32xbf16> -> vector<16xf32>
      %unpack3A_165 = tpu.unpack_subelements %get3A_164, 1 {pack_format = #tpu.pack_format<interleaved>} : vector<32xbf16> -> vector<16xf32>
      %swap3A = arith.index_cast %add3A_162 : i32 to index
      %swap3A_166 = arith.constant 0 : index
      %swap3A_167 = tpu.vector_load %arg12[%swap3A, %swap3A_166] {strides = array<i32>} : memref<104x128xf32, #tpu.memory_space<vmem>>, vector<16xf32>,
      tpu.vector_store %arg12[%swap3A, %swap3A_166], %unpack3A {strides = array<i32>} : memref<104x128xf32, #tpu.memory_space<vmem>>, vector<16xf32>,
      %swap3A_168 = arith.index_cast %add3A_162 : i32 to index
      %swap3A_169 = arith.constant 16 : index
      %swap3A_170 = tpu.vector_load %arg12[%swap3A_168, %swap3A_169] {strides = array<i32>} : memref<104x128xf32, #tpu.memory_space<vmem>>, vector<16xf32>,
      tpu.vector_store %arg12[%swap3A_168, %swap3A_169], %unpack3A_165 {strides = array<i32>} : memref<104x128xf32, #tpu.memory_space<vmem>>, vector<16xf32>,
      %get3A_171 = arith.index_cast %add3A_162 : i32 to index
      %get3A_172 = arith.constant 32 : index
      %get3A_173 = tpu.vector_load %arg11[%get3A_171, %get3A_172] {strides = array<i32>} : memref<104x128xbf16, #tpu.memory_space<vmem>>, vector<32xbf16>,
      %unpack3A_174 = tpu.unpack_subelements %get3A_173, 0 {pack_format = #tpu.pack_format<interleaved>} : vector<32xbf16> -> vector<16xf32>
      %unpack3A_175 = tpu.unpack_subelements %get3A_173, 1 {pack_format = #tpu.pack_format<interleaved>} : vector<32xbf16> -> vector<16xf32>
      %swap3A_176 = arith.index_cast %add3A_162 : i32 to index
      %swap3A_177 = arith.constant 32 : index
      %swap3A_178 = tpu.vector_load %arg12[%swap3A_176, %swap3A_177] {strides = array<i32>} : memref<104x128xf32, #tpu.memory_space<vmem>>, vector<16xf32>,
      tpu.vector_store %arg12[%swap3A_176, %swap3A_177], %unpack3A_174 {strides = array<i32>} : memref<104x128xf32, #tpu.memory_space<vmem>>, vector<16xf32>,
      %swap3A_179 = arith.index_cast %add3A_162 : i32 to index
      %swap3A_180 = arith.constant 48 : index
      %swap3A_181 = tpu.vector_load %arg12[%swap3A_179, %swap3A_180] {strides = array<i32>} : memref<104x128xf32, #tpu.memory_space<vmem>>, vector<16xf32>,
      tpu.vector_store %arg12[%swap3A_179, %swap3A_180], %unpack3A_175 {strides = array<i32>} : memref<104x128xf32, #tpu.memory_space<vmem>>, vector<16xf32>,
      %get3A_182 = arith.index_cast %add3A_162 : i32 to index
      %get3A_183 = arith.constant 64 : index
      %get3A_184 = tpu.vector_load %arg11[%get3A_182, %get3A_183] {strides = array<i32>} : memref<104x128xbf16, #tpu.memory_space<vmem>>, vector<32xbf16>,
      %unpack3A_185 = tpu.unpack_subelements %get3A_184, 0 {pack_format = #tpu.pack_format<interleaved>} : vector<32xbf16> -> vector<16xf32>
      %unpack3A_186 = tpu.unpack_subelements %get3A_184, 1 {pack_format = #tpu.pack_format<interleaved>} : vector<32xbf16> -> vector<16xf32>
      %swap3A_187 = arith.index_cast %add3A_162 : i32 to index
      %swap3A_188 = arith.constant 64 : index
      %swap3A_189 = tpu.vector_load %arg12[%swap3A_187, %swap3A_188] {strides = array<i32>} : memref<104x128xf32, #tpu.memory_space<vmem>>, vector<16xf32>,
      tpu.vector_store %arg12[%swap3A_187, %swap3A_188], %unpack3A_185 {strides = array<i32>} : memref<104x128xf32, #tpu.memory_space<vmem>>, vector<16xf32>,
      %swap3A_190 = arith.index_cast %add3A_162 : i32 to index
      %swap3A_191 = arith.constant 80 : index
      %swap3A_192 = tpu.vector_load %arg12[%swap3A_190, %swap3A_191] {strides = array<i32>} : memref<104x128xf32, #tpu.memory_space<vmem>>, vector<16xf32>,
      tpu.vector_store %arg12[%swap3A_190, %swap3A_191], %unpack3A_186 {strides = array<i32>} : memref<104x128xf32, #tpu.memory_space<vmem>>, vector<16xf32>,
      %get3A_193 = arith.index_cast %add3A_162 : i32 to index
      %get3A_194 = arith.constant 96 : index
      %get3A_195 = tpu.vector_load %arg11[%get3A_193, %get3A_194] {strides = array<i32>} : memref<104x128xbf16, #tpu.memory_space<vmem>>, vector<32xbf16>,
      %unpack3A_196 = tpu.unpack_subelements %get3A_195, 0 {pack_format = #tpu.pack_format<interleaved>} : vector<32xbf16> -> vector<16xf32>
      %unpack3A_197 = tpu.unpack_subelements %get3A_195, 1 {pack_format = #tpu.pack_format<interleaved>} : vector<32xbf16> -> vector<16xf32>
      %swap3A_198 = arith.index_cast %add3A_162 : i32 to index
      %swap3A_199 = arith.constant 96 : index
      %swap3A_200 = tpu.vector_load %arg12[%swap3A_198, %swap3A_199] {strides = array<i32>} : memref<104x128xf32, #tpu.memory_space<vmem>>, vector<16xf32>,
      tpu.vector_store %arg12[%swap3A_198, %swap3A_199], %unpack3A_196 {strides = array<i32>} : memref<104x128xf32, #tpu.memory_space<vmem>>, vector<16xf32>,
      %swap3A_201 = arith.index_cast %add3A_162 : i32 to index
      %swap3A_202 = arith.constant 112 : index
      %swap3A_203 = tpu.vector_load %arg12[%swap3A_201, %swap3A_202] {strides = array<i32>} : memref<104x128xf32, #tpu.memory_space<vmem>>, vector<16xf32>,
      tpu.vector_store %arg12[%swap3A_201, %swap3A_202], %unpack3A_197 {strides = array<i32>} : memref<104x128xf32, #tpu.memory_space<vmem>>, vector<16xf32>,
    }
    %scan3A_131 = arith.constant 104 : i32
    "tpu.region"() ({
      %run_scoped3A_158 = tpu.sem_alloc : memref<!tpu.dma_semaphore, #tpu.memory_space<semaphore_mem>>
      %dma_start3A_159 = arith.constant 0 : i32
      %dma_start3A_160 = arith.constant 0 : i32
      %dma_start3A_161 = tpu.memref_slice %arg12[%dma_start3A_159, %dma_start3A_160] : memref<104x128xf32, #tpu.memory_space<vmem>> -> memref<104x128xf32, #tpu.memory_space<vmem>>
      %dma_start3A_162 = arith.constant 0 : i32
      %dma_start3A_163 = tpu.memref_slice %arg4[%arg0, %add3A_126, %dma_start3A_162] : memref<2x10000x128xf32, #tpu.memory_space<hbm>> -> memref<1x104x128xf32, #tpu.memory_space<hbm>>
      %dma_start3A_164 = tpu.memref_squeeze %dma_start3A_163 : memref<1x104x128xf32, #tpu.memory_space<hbm>> -> memref<104x128xf32, #tpu.memory_space<hbm>>
      %dma_start3A_165 = arith.constant 0 : i32
      %dma_start3A_166 = tpu.memref_slice %arg4[%arg0, %add3A_126, %dma_start3A_165] : memref<2x10000x128xf32, #tpu.memory_space<hbm>> -> memref<1x104x128xf32, #tpu.memory_space<hbm>>
      %dma_start3A_167 = tpu.memref_squeeze %dma_start3A_166 : memref<1x104x128xf32, #tpu.memory_space<hbm>> -> memref<104x128xf32, #tpu.memory_space<hbm>>
      %dma_start3A_168 = arith.constant 0 : i32
      %dma_start3A_169 = arith.constant 0 : i32
      %dma_start3A_170 = tpu.memref_slice %arg12[%dma_start3A_168, %dma_start3A_169] : memref<104x128xf32, #tpu.memory_space<vmem>> -> memref<104x128xf32, #tpu.memory_space<vmem>>
      tpu.enqueue_dma source(%dma_start3A_170 : memref<104x128xf32, #tpu.memory_space<vmem>>) target(%dma_start3A_167 : memref<104x128xf32, #tpu.memory_space<hbm>>) target_semaphore(%run_scoped3A_158 : memref<!tpu.dma_semaphore, #tpu.memory_space<semaphore_mem>>)
      %dma_wait3A_171 = arith.constant 0 : i32
      %dma_wait3A_172 = arith.constant 0 : i32
      %dma_wait3A_173 = tpu.memref_slice %arg12[%dma_wait3A_171, %dma_wait3A_172] : memref<104x128xf32, #tpu.memory_space<vmem>> -> memref<104x128xf32, #tpu.memory_space<vmem>>
      %dma_wait3A_174 = arith.constant 0 : i32
      %dma_wait3A_175 = tpu.memref_slice %arg4[%arg0, %add3A_126, %dma_wait3A_174] : memref<2x10000x128xf32, #tpu.memory_space<hbm>> -> memref<1x104x128xf32, #tpu.memory_space<hbm>>
      %dma_wait3A_176 = tpu.memref_squeeze %dma_wait3A_175 : memref<1x104x128xf32, #tpu.memory_space<hbm>> -> memref<104x128xf32, #tpu.memory_space<hbm>>
      %dma_wait3A_177 = arith.constant 0 : i32
      %dma_wait3A_178 = tpu.memref_slice %arg4[%arg0, %add3A_126, %dma_wait3A_177] : memref<2x10000x128xf32, #tpu.memory_space<hbm>> -> memref<1x104x128xf32, #tpu.memory_space<hbm>>
      %dma_wait3A_179 = tpu.memref_squeeze %dma_wait3A_178 : memref<1x104x128xf32, #tpu.memory_space<hbm>> -> memref<104x128xf32, #tpu.memory_space<hbm>>
      %dma_wait3A_180 = arith.constant 0 : i32
      %dma_wait3A_181 = arith.constant 0 : i32
      %dma_wait3A_182 = tpu.memref_slice %arg12[%dma_wait3A_180, %dma_wait3A_181] : memref<104x128xf32, #tpu.memory_space<vmem>> -> memref<104x128xf32, #tpu.memory_space<vmem>>
      tpu.wait_dma2 semaphore(%run_scoped3A_158 : memref<!tpu.dma_semaphore, #tpu.memory_space<semaphore_mem>>) src(%dma_wait3A_182 : memref<104x128xf32, #tpu.memory_space<vmem>>) dst(%dma_wait3A_179 : memref<104x128xf32, #tpu.memory_space<hbm>>)
      tpu.yield
    }) : () -> ()
    %add3A_132 = arith.constant 312 : i32
    %add3A_133 = arith.addi %mul3A_2, %add3A_132 : i32
    "tpu.region"() ({
      %run_scoped3A_158 = tpu.sem_alloc : memref<!tpu.dma_semaphore, #tpu.memory_space<semaphore_mem>>
      %dma_start3A_159 = arith.constant 0 : i32
      %dma_start3A_160 = arith.constant 0 : i32
      %dma_start3A_161 = tpu.memref_slice %arg11[%dma_start3A_159, %dma_start3A_160] : memref<104x128xbf16, #tpu.memory_space<vmem>> -> memref<104x128xbf16, #tpu.memory_space<vmem>>
      %dma_start3A_162 = arith.constant 0 : i32
      %dma_start3A_163 = tpu.memref_slice %arg10[%add3A_133, %dma_start3A_162] : memref<10000x128xbf16, #tpu.memory_space<vmem_shared>> -> memref<104x128xbf16, #tpu.memory_space<vmem_shared>>
      %dma_start3A_164 = arith.constant 0 : i32
      %dma_start3A_165 = arith.constant 0 : i32
      %dma_start3A_166 = tpu.memref_slice %arg11[%dma_start3A_164, %dma_start3A_165] : memref<104x128xbf16, #tpu.memory_space<vmem>> -> memref<104x128xbf16, #tpu.memory_space<vmem>>
      %dma_start3A_167 = arith.constant 0 : i32
      %dma_start3A_168 = tpu.memref_slice %arg10[%add3A_133, %dma_start3A_167] : memref<10000x128xbf16, #tpu.memory_space<vmem_shared>> -> memref<104x128xbf16, #tpu.memory_space<vmem_shared>>
      tpu.enqueue_dma source(%dma_start3A_168 : memref<104x128xbf16, #tpu.memory_space<vmem_shared>>) target(%dma_start3A_166 : memref<104x128xbf16, #tpu.memory_space<vmem>>) target_semaphore(%run_scoped3A_158 : memref<!tpu.dma_semaphore, #tpu.memory_space<semaphore_mem>>)
      %dma_wait3A_169 = arith.constant 0 : i32
      %dma_wait3A_170 = arith.constant 0 : i32
      %dma_wait3A_171 = tpu.memref_slice %arg11[%dma_wait3A_169, %dma_wait3A_170] : memref<104x128xbf16, #tpu.memory_space<vmem>> -> memref<104x128xbf16, #tpu.memory_space<vmem>>
      %dma_wait3A_172 = arith.constant 0 : i32
      %dma_wait3A_173 = tpu.memref_slice %arg10[%add3A_133, %dma_wait3A_172] : memref<10000x128xbf16, #tpu.memory_space<vmem_shared>> -> memref<104x128xbf16, #tpu.memory_space<vmem_shared>>
      %dma_wait3A_174 = arith.constant 0 : i32
      %dma_wait3A_175 = arith.constant 0 : i32
      %dma_wait3A_176 = tpu.memref_slice %arg11[%dma_wait3A_174, %dma_wait3A_175] : memref<104x128xbf16, #tpu.memory_space<vmem>> -> memref<104x128xbf16, #tpu.memory_space<vmem>>
      %dma_wait3A_177 = arith.constant 0 : i32
      %dma_wait3A_178 = tpu.memref_slice %arg10[%add3A_133, %dma_wait3A_177] : memref<10000x128xbf16, #tpu.memory_space<vmem_shared>> -> memref<104x128xbf16, #tpu.memory_space<vmem_shared>>
      tpu.wait_dma2 semaphore(%run_scoped3A_158 : memref<!tpu.dma_semaphore, #tpu.memory_space<semaphore_mem>>) src(%dma_wait3A_178 : memref<104x128xbf16, #tpu.memory_space<vmem_shared>>) dst(%dma_wait3A_176 : memref<104x128xbf16, #tpu.memory_space<vmem>>)
      tpu.yield
    }) : () -> ()
    %scan3A_134 = arith.constant 0 : i32
    %scan3A_135 = arith.constant 104 : i32
    %scan3A_136 = arith.addi %scan3A_134, %scan3A_135 : i32
    %scan3A_137 = arith.constant 1 : i32
    scf.for %scan3A_158 = %scan3A_134 to %scan3A_136 step %scan3A_137  : i32 {
      %mul3A_159 = arith.constant 1 : i32
      %mul3A_160 = arith.muli %scan3A_158, %mul3A_159 : i32
      %add3A_161 = arith.constant 0 : i32
      %add3A_162 = arith.addi %add3A_161, %mul3A_160 : i32
      %get3A = arith.index_cast %add3A_162 : i32 to index
      %get3A_163 = arith.constant 0 : index
      %get3A_164 = tpu.vector_load %arg11[%get3A, %get3A_163] {strides = array<i32>} : memref<104x128xbf16, #tpu.memory_space<vmem>>, vector<32xbf16>,
      %unpack3A = tpu.unpack_subelements %get3A_164, 0 {pack_format = #tpu.pack_format<interleaved>} : vector<32xbf16> -> vector<16xf32>
      %unpack3A_165 = tpu.unpack_subelements %get3A_164, 1 {pack_format = #tpu.pack_format<interleaved>} : vector<32xbf16> -> vector<16xf32>
      %swap3A = arith.index_cast %add3A_162 : i32 to index
      %swap3A_166 = arith.constant 0 : index
      %swap3A_167 = tpu.vector_load %arg12[%swap3A, %swap3A_166] {strides = array<i32>} : memref<104x128xf32, #tpu.memory_space<vmem>>, vector<16xf32>,
      tpu.vector_store %arg12[%swap3A, %swap3A_166], %unpack3A {strides = array<i32>} : memref<104x128xf32, #tpu.memory_space<vmem>>, vector<16xf32>,
      %swap3A_168 = arith.index_cast %add3A_162 : i32 to index
      %swap3A_169 = arith.constant 16 : index
      %swap3A_170 = tpu.vector_load %arg12[%swap3A_168, %swap3A_169] {strides = array<i32>} : memref<104x128xf32, #tpu.memory_space<vmem>>, vector<16xf32>,
      tpu.vector_store %arg12[%swap3A_168, %swap3A_169], %unpack3A_165 {strides = array<i32>} : memref<104x128xf32, #tpu.memory_space<vmem>>, vector<16xf32>,
      %get3A_171 = arith.index_cast %add3A_162 : i32 to index
      %get3A_172 = arith.constant 32 : index
      %get3A_173 = tpu.vector_load %arg11[%get3A_171, %get3A_172] {strides = array<i32>} : memref<104x128xbf16, #tpu.memory_space<vmem>>, vector<32xbf16>,
      %unpack3A_174 = tpu.unpack_subelements %get3A_173, 0 {pack_format = #tpu.pack_format<interleaved>} : vector<32xbf16> -> vector<16xf32>
      %unpack3A_175 = tpu.unpack_subelements %get3A_173, 1 {pack_format = #tpu.pack_format<interleaved>} : vector<32xbf16> -> vector<16xf32>
      %swap3A_176 = arith.index_cast %add3A_162 : i32 to index
      %swap3A_177 = arith.constant 32 : index
      %swap3A_178 = tpu.vector_load %arg12[%swap3A_176, %swap3A_177] {strides = array<i32>} : memref<104x128xf32, #tpu.memory_space<vmem>>, vector<16xf32>,
      tpu.vector_store %arg12[%swap3A_176, %swap3A_177], %unpack3A_174 {strides = array<i32>} : memref<104x128xf32, #tpu.memory_space<vmem>>, vector<16xf32>,
      %swap3A_179 = arith.index_cast %add3A_162 : i32 to index
      %swap3A_180 = arith.constant 48 : index
      %swap3A_181 = tpu.vector_load %arg12[%swap3A_179, %swap3A_180] {strides = array<i32>} : memref<104x128xf32, #tpu.memory_space<vmem>>, vector<16xf32>,
      tpu.vector_store %arg12[%swap3A_179, %swap3A_180], %unpack3A_175 {strides = array<i32>} : memref<104x128xf32, #tpu.memory_space<vmem>>, vector<16xf32>,
      %get3A_182 = arith.index_cast %add3A_162 : i32 to index
      %get3A_183 = arith.constant 64 : index
      %get3A_184 = tpu.vector_load %arg11[%get3A_182, %get3A_183] {strides = array<i32>} : memref<104x128xbf16, #tpu.memory_space<vmem>>, vector<32xbf16>,
      %unpack3A_185 = tpu.unpack_subelements %get3A_184, 0 {pack_format = #tpu.pack_format<interleaved>} : vector<32xbf16> -> vector<16xf32>
      %unpack3A_186 = tpu.unpack_subelements %get3A_184, 1 {pack_format = #tpu.pack_format<interleaved>} : vector<32xbf16> -> vector<16xf32>
      %swap3A_187 = arith.index_cast %add3A_162 : i32 to index
      %swap3A_188 = arith.constant 64 : index
      %swap3A_189 = tpu.vector_load %arg12[%swap3A_187, %swap3A_188] {strides = array<i32>} : memref<104x128xf32, #tpu.memory_space<vmem>>, vector<16xf32>,
      tpu.vector_store %arg12[%swap3A_187, %swap3A_188], %unpack3A_185 {strides = array<i32>} : memref<104x128xf32, #tpu.memory_space<vmem>>, vector<16xf32>,
      %swap3A_190 = arith.index_cast %add3A_162 : i32 to index
      %swap3A_191 = arith.constant 80 : index
      %swap3A_192 = tpu.vector_load %arg12[%swap3A_190, %swap3A_191] {strides = array<i32>} : memref<104x128xf32, #tpu.memory_space<vmem>>, vector<16xf32>,
      tpu.vector_store %arg12[%swap3A_190, %swap3A_191], %unpack3A_186 {strides = array<i32>} : memref<104x128xf32, #tpu.memory_space<vmem>>, vector<16xf32>,
      %get3A_193 = arith.index_cast %add3A_162 : i32 to index
      %get3A_194 = arith.constant 96 : index
      %get3A_195 = tpu.vector_load %arg11[%get3A_193, %get3A_194] {strides = array<i32>} : memref<104x128xbf16, #tpu.memory_space<vmem>>, vector<32xbf16>,
      %unpack3A_196 = tpu.unpack_subelements %get3A_195, 0 {pack_format = #tpu.pack_format<interleaved>} : vector<32xbf16> -> vector<16xf32>
      %unpack3A_197 = tpu.unpack_subelements %get3A_195, 1 {pack_format = #tpu.pack_format<interleaved>} : vector<32xbf16> -> vector<16xf32>
      %swap3A_198 = arith.index_cast %add3A_162 : i32 to index
      %swap3A_199 = arith.constant 96 : index
      %swap3A_200 = tpu.vector_load %arg12[%swap3A_198, %swap3A_199] {strides = array<i32>} : memref<104x128xf32, #tpu.memory_space<vmem>>, vector<16xf32>,
      tpu.vector_store %arg12[%swap3A_198, %swap3A_199], %unpack3A_196 {strides = array<i32>} : memref<104x128xf32, #tpu.memory_space<vmem>>, vector<16xf32>,
      %swap3A_201 = arith.index_cast %add3A_162 : i32 to index
      %swap3A_202 = arith.constant 112 : index
      %swap3A_203 = tpu.vector_load %arg12[%swap3A_201, %swap3A_202] {strides = array<i32>} : memref<104x128xf32, #tpu.memory_space<vmem>>, vector<16xf32>,
      tpu.vector_store %arg12[%swap3A_201, %swap3A_202], %unpack3A_197 {strides = array<i32>} : memref<104x128xf32, #tpu.memory_space<vmem>>, vector<16xf32>,
    }
    %scan3A_138 = arith.constant 104 : i32
    "tpu.region"() ({
      %run_scoped3A_158 = tpu.sem_alloc : memref<!tpu.dma_semaphore, #tpu.memory_space<semaphore_mem>>
      %dma_start3A_159 = arith.constant 0 : i32
      %dma_start3A_160 = arith.constant 0 : i32
      %dma_start3A_161 = tpu.memref_slice %arg12[%dma_start3A_159, %dma_start3A_160] : memref<104x128xf32, #tpu.memory_space<vmem>> -> memref<104x128xf32, #tpu.memory_space<vmem>>
      %dma_start3A_162 = arith.constant 0 : i32
      %dma_start3A_163 = tpu.memref_slice %arg4[%arg0, %add3A_133, %dma_start3A_162] : memref<2x10000x128xf32, #tpu.memory_space<hbm>> -> memref<1x104x128xf32, #tpu.memory_space<hbm>>
      %dma_start3A_164 = tpu.memref_squeeze %dma_start3A_163 : memref<1x104x128xf32, #tpu.memory_space<hbm>> -> memref<104x128xf32, #tpu.memory_space<hbm>>
      %dma_start3A_165 = arith.constant 0 : i32
      %dma_start3A_166 = tpu.memref_slice %arg4[%arg0, %add3A_133, %dma_start3A_165] : memref<2x10000x128xf32, #tpu.memory_space<hbm>> -> memref<1x104x128xf32, #tpu.memory_space<hbm>>
      %dma_start3A_167 = tpu.memref_squeeze %dma_start3A_166 : memref<1x104x128xf32, #tpu.memory_space<hbm>> -> memref<104x128xf32, #tpu.memory_space<hbm>>
      %dma_start3A_168 = arith.constant 0 : i32
      %dma_start3A_169 = arith.constant 0 : i32
      %dma_start3A_170 = tpu.memref_slice %arg12[%dma_start3A_168, %dma_start3A_169] : memref<104x128xf32, #tpu.memory_space<vmem>> -> memref<104x128xf32, #tpu.memory_space<vmem>>
      tpu.enqueue_dma source(%dma_start3A_170 : memref<104x128xf32, #tpu.memory_space<vmem>>) target(%dma_start3A_167 : memref<104x128xf32, #tpu.memory_space<hbm>>) target_semaphore(%run_scoped3A_158 : memref<!tpu.dma_semaphore, #tpu.memory_space<semaphore_mem>>)
      %dma_wait3A_171 = arith.constant 0 : i32
      %dma_wait3A_172 = arith.constant 0 : i32
      %dma_wait3A_173 = tpu.memref_slice %arg12[%dma_wait3A_171, %dma_wait3A_172] : memref<104x128xf32, #tpu.memory_space<vmem>> -> memref<104x128xf32, #tpu.memory_space<vmem>>
      %dma_wait3A_174 = arith.constant 0 : i32
      %dma_wait3A_175 = tpu.memref_slice %arg4[%arg0, %add3A_133, %dma_wait3A_174] : memref<2x10000x128xf32, #tpu.memory_space<hbm>> -> memref<1x104x128xf32, #tpu.memory_space<hbm>>
      %dma_wait3A_176 = tpu.memref_squeeze %dma_wait3A_175 : memref<1x104x128xf32, #tpu.memory_space<hbm>> -> memref<104x128xf32, #tpu.memory_space<hbm>>
      %dma_wait3A_177 = arith.constant 0 : i32
      %dma_wait3A_178 = tpu.memref_slice %arg4[%arg0, %add3A_133, %dma_wait3A_177] : memref<2x10000x128xf32, #tpu.memory_space<hbm>> -> memref<1x104x128xf32, #tpu.memory_space<hbm>>
      %dma_wait3A_179 = tpu.memref_squeeze %dma_wait3A_178 : memref<1x104x128xf32, #tpu.memory_space<hbm>> -> memref<104x128xf32, #tpu.memory_space<hbm>>
      %dma_wait3A_180 = arith.constant 0 : i32
      %dma_wait3A_181 = arith.constant 0 : i32
      %dma_wait3A_182 = tpu.memref_slice %arg12[%dma_wait3A_180, %dma_wait3A_181] : memref<104x128xf32, #tpu.memory_space<vmem>> -> memref<104x128xf32, #tpu.memory_space<vmem>>
      tpu.wait_dma2 semaphore(%run_scoped3A_158 : memref<!tpu.dma_semaphore, #tpu.memory_space<semaphore_mem>>) src(%dma_wait3A_182 : memref<104x128xf32, #tpu.memory_space<vmem>>) dst(%dma_wait3A_179 : memref<104x128xf32, #tpu.memory_space<hbm>>)
      tpu.yield
    }) : () -> ()
    %add3A_139 = arith.constant 416 : i32
    %add3A_140 = arith.addi %mul3A_2, %add3A_139 : i32
    "tpu.region"() ({
      %run_scoped3A_158 = tpu.sem_alloc : memref<!tpu.dma_semaphore, #tpu.memory_space<semaphore_mem>>
      %dma_start3A_159 = arith.constant 0 : i32
      %dma_start3A_160 = arith.constant 0 : i32
      %dma_start3A_161 = tpu.memref_slice %arg11[%dma_start3A_159, %dma_start3A_160] : memref<104x128xbf16, #tpu.memory_space<vmem>> -> memref<104x128xbf16, #tpu.memory_space<vmem>>
      %dma_start3A_162 = arith.constant 0 : i32
      %dma_start3A_163 = tpu.memref_slice %arg10[%add3A_140, %dma_start3A_162] : memref<10000x128xbf16, #tpu.memory_space<vmem_shared>> -> memref<104x128xbf16, #tpu.memory_space<vmem_shared>>
      %dma_start3A_164 = arith.constant 0 : i32
      %dma_start3A_165 = arith.constant 0 : i32
      %dma_start3A_166 = tpu.memref_slice %arg11[%dma_start3A_164, %dma_start3A_165] : memref<104x128xbf16, #tpu.memory_space<vmem>> -> memref<104x128xbf16, #tpu.memory_space<vmem>>
      %dma_start3A_167 = arith.constant 0 : i32
      %dma_start3A_168 = tpu.memref_slice %arg10[%add3A_140, %dma_start3A_167] : memref<10000x128xbf16, #tpu.memory_space<vmem_shared>> -> memref<104x128xbf16, #tpu.memory_space<vmem_shared>>
      tpu.enqueue_dma source(%dma_start3A_168 : memref<104x128xbf16, #tpu.memory_space<vmem_shared>>) target(%dma_start3A_166 : memref<104x128xbf16, #tpu.memory_space<vmem>>) target_semaphore(%run_scoped3A_158 : memref<!tpu.dma_semaphore, #tpu.memory_space<semaphore_mem>>)
      %dma_wait3A_169 = arith.constant 0 : i32
      %dma_wait3A_170 = arith.constant 0 : i32
      %dma_wait3A_171 = tpu.memref_slice %arg11[%dma_wait3A_169, %dma_wait3A_170] : memref<104x128xbf16, #tpu.memory_space<vmem>> -> memref<104x128xbf16, #tpu.memory_space<vmem>>
      %dma_wait3A_172 = arith.constant 0 : i32
      %dma_wait3A_173 = tpu.memref_slice %arg10[%add3A_140, %dma_wait3A_172] : memref<10000x128xbf16, #tpu.memory_space<vmem_shared>> -> memref<104x128xbf16, #tpu.memory_space<vmem_shared>>
      %dma_wait3A_174 = arith.constant 0 : i32
      %dma_wait3A_175 = arith.constant 0 : i32
      %dma_wait3A_176 = tpu.memref_slice %arg11[%dma_wait3A_174, %dma_wait3A_175] : memref<104x128xbf16, #tpu.memory_space<vmem>> -> memref<104x128xbf16, #tpu.memory_space<vmem>>
      %dma_wait3A_177 = arith.constant 0 : i32
      %dma_wait3A_178 = tpu.memref_slice %arg10[%add3A_140, %dma_wait3A_177] : memref<10000x128xbf16, #tpu.memory_space<vmem_shared>> -> memref<104x128xbf16, #tpu.memory_space<vmem_shared>>
      tpu.wait_dma2 semaphore(%run_scoped3A_158 : memref<!tpu.dma_semaphore, #tpu.memory_space<semaphore_mem>>) src(%dma_wait3A_178 : memref<104x128xbf16, #tpu.memory_space<vmem_shared>>) dst(%dma_wait3A_176 : memref<104x128xbf16, #tpu.memory_space<vmem>>)
      tpu.yield
    }) : () -> ()
    %scan3A_141 = arith.constant 0 : i32
    %scan3A_142 = arith.constant 104 : i32
    %scan3A_143 = arith.addi %scan3A_141, %scan3A_142 : i32
    %scan3A_144 = arith.constant 1 : i32
    scf.for %scan3A_158 = %scan3A_141 to %scan3A_143 step %scan3A_144  : i32 {
      %mul3A_159 = arith.constant 1 : i32
      %mul3A_160 = arith.muli %scan3A_158, %mul3A_159 : i32
      %add3A_161 = arith.constant 0 : i32
      %add3A_162 = arith.addi %add3A_161, %mul3A_160 : i32
      %get3A = arith.index_cast %add3A_162 : i32 to index
      %get3A_163 = arith.constant 0 : index
      %get3A_164 = tpu.vector_load %arg11[%get3A, %get3A_163] {strides = array<i32>} : memref<104x128xbf16, #tpu.memory_space<vmem>>, vector<32xbf16>,
      %unpack3A = tpu.unpack_subelements %get3A_164, 0 {pack_format = #tpu.pack_format<interleaved>} : vector<32xbf16> -> vector<16xf32>
      %unpack3A_165 = tpu.unpack_subelements %get3A_164, 1 {pack_format = #tpu.pack_format<interleaved>} : vector<32xbf16> -> vector<16xf32>
      %swap3A = arith.index_cast %add3A_162 : i32 to index
      %swap3A_166 = arith.constant 0 : index
      %swap3A_167 = tpu.vector_load %arg12[%swap3A, %swap3A_166] {strides = array<i32>} : memref<104x128xf32, #tpu.memory_space<vmem>>, vector<16xf32>,
      tpu.vector_store %arg12[%swap3A, %swap3A_166], %unpack3A {strides = array<i32>} : memref<104x128xf32, #tpu.memory_space<vmem>>, vector<16xf32>,
      %swap3A_168 = arith.index_cast %add3A_162 : i32 to index
      %swap3A_169 = arith.constant 16 : index
      %swap3A_170 = tpu.vector_load %arg12[%swap3A_168, %swap3A_169] {strides = array<i32>} : memref<104x128xf32, #tpu.memory_space<vmem>>, vector<16xf32>,
      tpu.vector_store %arg12[%swap3A_168, %swap3A_169], %unpack3A_165 {strides = array<i32>} : memref<104x128xf32, #tpu.memory_space<vmem>>, vector<16xf32>,
      %get3A_171 = arith.index_cast %add3A_162 : i32 to index
      %get3A_172 = arith.constant 32 : index
      %get3A_173 = tpu.vector_load %arg11[%get3A_171, %get3A_172] {strides = array<i32>} : memref<104x128xbf16, #tpu.memory_space<vmem>>, vector<32xbf16>,
      %unpack3A_174 = tpu.unpack_subelements %get3A_173, 0 {pack_format = #tpu.pack_format<interleaved>} : vector<32xbf16> -> vector<16xf32>
      %unpack3A_175 = tpu.unpack_subelements %get3A_173, 1 {pack_format = #tpu.pack_format<interleaved>} : vector<32xbf16> -> vector<16xf32>
      %swap3A_176 = arith.index_cast %add3A_162 : i32 to index
      %swap3A_177 = arith.constant 32 : index
      %swap3A_178 = tpu.vector_load %arg12[%swap3A_176, %swap3A_177] {strides = array<i32>} : memref<104x128xf32, #tpu.memory_space<vmem>>, vector<16xf32>,
      tpu.vector_store %arg12[%swap3A_176, %swap3A_177], %unpack3A_174 {strides = array<i32>} : memref<104x128xf32, #tpu.memory_space<vmem>>, vector<16xf32>,
      %swap3A_179 = arith.index_cast %add3A_162 : i32 to index
      %swap3A_180 = arith.constant 48 : index
      %swap3A_181 = tpu.vector_load %arg12[%swap3A_179, %swap3A_180] {strides = array<i32>} : memref<104x128xf32, #tpu.memory_space<vmem>>, vector<16xf32>,
      tpu.vector_store %arg12[%swap3A_179, %swap3A_180], %unpack3A_175 {strides = array<i32>} : memref<104x128xf32, #tpu.memory_space<vmem>>, vector<16xf32>,
      %get3A_182 = arith.index_cast %add3A_162 : i32 to index
      %get3A_183 = arith.constant 64 : index
      %get3A_184 = tpu.vector_load %arg11[%get3A_182, %get3A_183] {strides = array<i32>} : memref<104x128xbf16, #tpu.memory_space<vmem>>, vector<32xbf16>,
      %unpack3A_185 = tpu.unpack_subelements %get3A_184, 0 {pack_format = #tpu.pack_format<interleaved>} : vector<32xbf16> -> vector<16xf32>
      %unpack3A_186 = tpu.unpack_subelements %get3A_184, 1 {pack_format = #tpu.pack_format<interleaved>} : vector<32xbf16> -> vector<16xf32>
      %swap3A_187 = arith.index_cast %add3A_162 : i32 to index
      %swap3A_188 = arith.constant 64 : index
      %swap3A_189 = tpu.vector_load %arg12[%swap3A_187, %swap3A_188] {strides = array<i32>} : memref<104x128xf32, #tpu.memory_space<vmem>>, vector<16xf32>,
      tpu.vector_store %arg12[%swap3A_187, %swap3A_188], %unpack3A_185 {strides = array<i32>} : memref<104x128xf32, #tpu.memory_space<vmem>>, vector<16xf32>,
      %swap3A_190 = arith.index_cast %add3A_162 : i32 to index
      %swap3A_191 = arith.constant 80 : index
      %swap3A_192 = tpu.vector_load %arg12[%swap3A_190, %swap3A_191] {strides = array<i32>} : memref<104x128xf32, #tpu.memory_space<vmem>>, vector<16xf32>,
      tpu.vector_store %arg12[%swap3A_190, %swap3A_191], %unpack3A_186 {strides = array<i32>} : memref<104x128xf32, #tpu.memory_space<vmem>>, vector<16xf32>,
      %get3A_193 = arith.index_cast %add3A_162 : i32 to index
      %get3A_194 = arith.constant 96 : index
      %get3A_195 = tpu.vector_load %arg11[%get3A_193, %get3A_194] {strides = array<i32>} : memref<104x128xbf16, #tpu.memory_space<vmem>>, vector<32xbf16>,
      %unpack3A_196 = tpu.unpack_subelements %get3A_195, 0 {pack_format = #tpu.pack_format<interleaved>} : vector<32xbf16> -> vector<16xf32>
      %unpack3A_197 = tpu.unpack_subelements %get3A_195, 1 {pack_format = #tpu.pack_format<interleaved>} : vector<32xbf16> -> vector<16xf32>
      %swap3A_198 = arith.index_cast %add3A_162 : i32 to index
      %swap3A_199 = arith.constant 96 : index
      %swap3A_200 = tpu.vector_load %arg12[%swap3A_198, %swap3A_199] {strides = array<i32>} : memref<104x128xf32, #tpu.memory_space<vmem>>, vector<16xf32>,
      tpu.vector_store %arg12[%swap3A_198, %swap3A_199], %unpack3A_196 {strides = array<i32>} : memref<104x128xf32, #tpu.memory_space<vmem>>, vector<16xf32>,
      %swap3A_201 = arith.index_cast %add3A_162 : i32 to index
      %swap3A_202 = arith.constant 112 : index
      %swap3A_203 = tpu.vector_load %arg12[%swap3A_201, %swap3A_202] {strides = array<i32>} : memref<104x128xf32, #tpu.memory_space<vmem>>, vector<16xf32>,
      tpu.vector_store %arg12[%swap3A_201, %swap3A_202], %unpack3A_197 {strides = array<i32>} : memref<104x128xf32, #tpu.memory_space<vmem>>, vector<16xf32>,
    }
    %scan3A_145 = arith.constant 104 : i32
    "tpu.region"() ({
      %run_scoped3A_158 = tpu.sem_alloc : memref<!tpu.dma_semaphore, #tpu.memory_space<semaphore_mem>>
      %dma_start3A_159 = arith.constant 0 : i32
      %dma_start3A_160 = arith.constant 0 : i32
      %dma_start3A_161 = tpu.memref_slice %arg12[%dma_start3A_159, %dma_start3A_160] : memref<104x128xf32, #tpu.memory_space<vmem>> -> memref<104x128xf32, #tpu.memory_space<vmem>>
      %dma_start3A_162 = arith.constant 0 : i32
      %dma_start3A_163 = tpu.memref_slice %arg4[%arg0, %add3A_140, %dma_start3A_162] : memref<2x10000x128xf32, #tpu.memory_space<hbm>> -> memref<1x104x128xf32, #tpu.memory_space<hbm>>
      %dma_start3A_164 = tpu.memref_squeeze %dma_start3A_163 : memref<1x104x128xf32, #tpu.memory_space<hbm>> -> memref<104x128xf32, #tpu.memory_space<hbm>>
      %dma_start3A_165 = arith.constant 0 : i32
      %dma_start3A_166 = tpu.memref_slice %arg4[%arg0, %add3A_140, %dma_start3A_165] : memref<2x10000x128xf32, #tpu.memory_space<hbm>> -> memref<1x104x128xf32, #tpu.memory_space<hbm>>
      %dma_start3A_167 = tpu.memref_squeeze %dma_start3A_166 : memref<1x104x128xf32, #tpu.memory_space<hbm>> -> memref<104x128xf32, #tpu.memory_space<hbm>>
      %dma_start3A_168 = arith.constant 0 : i32
      %dma_start3A_169 = arith.constant 0 : i32
      %dma_start3A_170 = tpu.memref_slice %arg12[%dma_start3A_168, %dma_start3A_169] : memref<104x128xf32, #tpu.memory_space<vmem>> -> memref<104x128xf32, #tpu.memory_space<vmem>>
      tpu.enqueue_dma source(%dma_start3A_170 : memref<104x128xf32, #tpu.memory_space<vmem>>) target(%dma_start3A_167 : memref<104x128xf32, #tpu.memory_space<hbm>>) target_semaphore(%run_scoped3A_158 : memref<!tpu.dma_semaphore, #tpu.memory_space<semaphore_mem>>)
      %dma_wait3A_171 = arith.constant 0 : i32
      %dma_wait3A_172 = arith.constant 0 : i32
      %dma_wait3A_173 = tpu.memref_slice %arg12[%dma_wait3A_171, %dma_wait3A_172] : memref<104x128xf32, #tpu.memory_space<vmem>> -> memref<104x128xf32, #tpu.memory_space<vmem>>
      %dma_wait3A_174 = arith.constant 0 : i32
      %dma_wait3A_175 = tpu.memref_slice %arg4[%arg0, %add3A_140, %dma_wait3A_174] : memref<2x10000x128xf32, #tpu.memory_space<hbm>> -> memref<1x104x128xf32, #tpu.memory_space<hbm>>
      %dma_wait3A_176 = tpu.memref_squeeze %dma_wait3A_175 : memref<1x104x128xf32, #tpu.memory_space<hbm>> -> memref<104x128xf32, #tpu.memory_space<hbm>>
      %dma_wait3A_177 = arith.constant 0 : i32
      %dma_wait3A_178 = tpu.memref_slice %arg4[%arg0, %add3A_140, %dma_wait3A_177] : memref<2x10000x128xf32, #tpu.memory_space<hbm>> -> memref<1x104x128xf32, #tpu.memory_space<hbm>>
      %dma_wait3A_179 = tpu.memref_squeeze %dma_wait3A_178 : memref<1x104x128xf32, #tpu.memory_space<hbm>> -> memref<104x128xf32, #tpu.memory_space<hbm>>
      %dma_wait3A_180 = arith.constant 0 : i32
      %dma_wait3A_181 = arith.constant 0 : i32
      %dma_wait3A_182 = tpu.memref_slice %arg12[%dma_wait3A_180, %dma_wait3A_181] : memref<104x128xf32, #tpu.memory_space<vmem>> -> memref<104x128xf32, #tpu.memory_space<vmem>>
      tpu.wait_dma2 semaphore(%run_scoped3A_158 : memref<!tpu.dma_semaphore, #tpu.memory_space<semaphore_mem>>) src(%dma_wait3A_182 : memref<104x128xf32, #tpu.memory_space<vmem>>) dst(%dma_wait3A_179 : memref<104x128xf32, #tpu.memory_space<hbm>>)
      tpu.yield
    }) : () -> ()
    %add3A_146 = arith.constant 520 : i32
    %add3A_147 = arith.addi %mul3A_2, %add3A_146 : i32
    "tpu.region"() ({
      %run_scoped3A_158 = tpu.sem_alloc : memref<!tpu.dma_semaphore, #tpu.memory_space<semaphore_mem>>
      %dma_start3A_159 = arith.constant 0 : i32
      %dma_start3A_160 = arith.constant 0 : i32
      %dma_start3A_161 = tpu.memref_slice %arg11[%dma_start3A_159, %dma_start3A_160] : memref<104x128xbf16, #tpu.memory_space<vmem>> -> memref<104x128xbf16, #tpu.memory_space<vmem>>
      %dma_start3A_162 = arith.constant 0 : i32
      %dma_start3A_163 = tpu.memref_slice %arg10[%add3A_147, %dma_start3A_162] : memref<10000x128xbf16, #tpu.memory_space<vmem_shared>> -> memref<104x128xbf16, #tpu.memory_space<vmem_shared>>
      %dma_start3A_164 = arith.constant 0 : i32
      %dma_start3A_165 = arith.constant 0 : i32
      %dma_start3A_166 = tpu.memref_slice %arg11[%dma_start3A_164, %dma_start3A_165] : memref<104x128xbf16, #tpu.memory_space<vmem>> -> memref<104x128xbf16, #tpu.memory_space<vmem>>
      %dma_start3A_167 = arith.constant 0 : i32
      %dma_start3A_168 = tpu.memref_slice %arg10[%add3A_147, %dma_start3A_167] : memref<10000x128xbf16, #tpu.memory_space<vmem_shared>> -> memref<104x128xbf16, #tpu.memory_space<vmem_shared>>
      tpu.enqueue_dma source(%dma_start3A_168 : memref<104x128xbf16, #tpu.memory_space<vmem_shared>>) target(%dma_start3A_166 : memref<104x128xbf16, #tpu.memory_space<vmem>>) target_semaphore(%run_scoped3A_158 : memref<!tpu.dma_semaphore, #tpu.memory_space<semaphore_mem>>)
      %dma_wait3A_169 = arith.constant 0 : i32
      %dma_wait3A_170 = arith.constant 0 : i32
      %dma_wait3A_171 = tpu.memref_slice %arg11[%dma_wait3A_169, %dma_wait3A_170] : memref<104x128xbf16, #tpu.memory_space<vmem>> -> memref<104x128xbf16, #tpu.memory_space<vmem>>
      %dma_wait3A_172 = arith.constant 0 : i32
      %dma_wait3A_173 = tpu.memref_slice %arg10[%add3A_147, %dma_wait3A_172] : memref<10000x128xbf16, #tpu.memory_space<vmem_shared>> -> memref<104x128xbf16, #tpu.memory_space<vmem_shared>>
      %dma_wait3A_174 = arith.constant 0 : i32
      %dma_wait3A_175 = arith.constant 0 : i32
      %dma_wait3A_176 = tpu.memref_slice %arg11[%dma_wait3A_174, %dma_wait3A_175] : memref<104x128xbf16, #tpu.memory_space<vmem>> -> memref<104x128xbf16, #tpu.memory_space<vmem>>
      %dma_wait3A_177 = arith.constant 0 : i32
      %dma_wait3A_178 = tpu.memref_slice %arg10[%add3A_147, %dma_wait3A_177] : memref<10000x128xbf16, #tpu.memory_space<vmem_shared>> -> memref<104x128xbf16, #tpu.memory_space<vmem_shared>>
      tpu.wait_dma2 semaphore(%run_scoped3A_158 : memref<!tpu.dma_semaphore, #tpu.memory_space<semaphore_mem>>) src(%dma_wait3A_178 : memref<104x128xbf16, #tpu.memory_space<vmem_shared>>) dst(%dma_wait3A_176 : memref<104x128xbf16, #tpu.memory_space<vmem>>)
      tpu.yield
    }) : () -> ()
    %scan3A_148 = arith.constant 0 : i32
    %scan3A_149 = arith.constant 104 : i32
    %scan3A_150 = arith.addi %scan3A_148, %scan3A_149 : i32
    %scan3A_151 = arith.constant 1 : i32
    scf.for %scan3A_158 = %scan3A_148 to %scan3A_150 step %scan3A_151  : i32 {
      %mul3A_159 = arith.constant 1 : i32
      %mul3A_160 = arith.muli %scan3A_158, %mul3A_159 : i32
      %add3A_161 = arith.constant 0 : i32
      %add3A_162 = arith.addi %add3A_161, %mul3A_160 : i32
      %get3A = arith.index_cast %add3A_162 : i32 to index
      %get3A_163 = arith.constant 0 : index
      %get3A_164 = tpu.vector_load %arg11[%get3A, %get3A_163] {strides = array<i32>} : memref<104x128xbf16, #tpu.memory_space<vmem>>, vector<32xbf16>,
      %unpack3A = tpu.unpack_subelements %get3A_164, 0 {pack_format = #tpu.pack_format<interleaved>} : vector<32xbf16> -> vector<16xf32>
      %unpack3A_165 = tpu.unpack_subelements %get3A_164, 1 {pack_format = #tpu.pack_format<interleaved>} : vector<32xbf16> -> vector<16xf32>
      %swap3A = arith.index_cast %add3A_162 : i32 to index
      %swap3A_166 = arith.constant 0 : index
      %swap3A_167 = tpu.vector_load %arg12[%swap3A, %swap3A_166] {strides = array<i32>} : memref<104x128xf32, #tpu.memory_space<vmem>>, vector<16xf32>,
      tpu.vector_store %arg12[%swap3A, %swap3A_166], %unpack3A {strides = array<i32>} : memref<104x128xf32, #tpu.memory_space<vmem>>, vector<16xf32>,
      %swap3A_168 = arith.index_cast %add3A_162 : i32 to index
      %swap3A_169 = arith.constant 16 : index
      %swap3A_170 = tpu.vector_load %arg12[%swap3A_168, %swap3A_169] {strides = array<i32>} : memref<104x128xf32, #tpu.memory_space<vmem>>, vector<16xf32>,
      tpu.vector_store %arg12[%swap3A_168, %swap3A_169], %unpack3A_165 {strides = array<i32>} : memref<104x128xf32, #tpu.memory_space<vmem>>, vector<16xf32>,
      %get3A_171 = arith.index_cast %add3A_162 : i32 to index
      %get3A_172 = arith.constant 32 : index
      %get3A_173 = tpu.vector_load %arg11[%get3A_171, %get3A_172] {strides = array<i32>} : memref<104x128xbf16, #tpu.memory_space<vmem>>, vector<32xbf16>,
      %unpack3A_174 = tpu.unpack_subelements %get3A_173, 0 {pack_format = #tpu.pack_format<interleaved>} : vector<32xbf16> -> vector<16xf32>
      %unpack3A_175 = tpu.unpack_subelements %get3A_173, 1 {pack_format = #tpu.pack_format<interleaved>} : vector<32xbf16> -> vector<16xf32>
      %swap3A_176 = arith.index_cast %add3A_162 : i32 to index
      %swap3A_177 = arith.constant 32 : index
      %swap3A_178 = tpu.vector_load %arg12[%swap3A_176, %swap3A_177] {strides = array<i32>} : memref<104x128xf32, #tpu.memory_space<vmem>>, vector<16xf32>,
      tpu.vector_store %arg12[%swap3A_176, %swap3A_177], %unpack3A_174 {strides = array<i32>} : memref<104x128xf32, #tpu.memory_space<vmem>>, vector<16xf32>,
      %swap3A_179 = arith.index_cast %add3A_162 : i32 to index
      %swap3A_180 = arith.constant 48 : index
      %swap3A_181 = tpu.vector_load %arg12[%swap3A_179, %swap3A_180] {strides = array<i32>} : memref<104x128xf32, #tpu.memory_space<vmem>>, vector<16xf32>,
      tpu.vector_store %arg12[%swap3A_179, %swap3A_180], %unpack3A_175 {strides = array<i32>} : memref<104x128xf32, #tpu.memory_space<vmem>>, vector<16xf32>,
      %get3A_182 = arith.index_cast %add3A_162 : i32 to index
      %get3A_183 = arith.constant 64 : index
      %get3A_184 = tpu.vector_load %arg11[%get3A_182, %get3A_183] {strides = array<i32>} : memref<104x128xbf16, #tpu.memory_space<vmem>>, vector<32xbf16>,
      %unpack3A_185 = tpu.unpack_subelements %get3A_184, 0 {pack_format = #tpu.pack_format<interleaved>} : vector<32xbf16> -> vector<16xf32>
      %unpack3A_186 = tpu.unpack_subelements %get3A_184, 1 {pack_format = #tpu.pack_format<interleaved>} : vector<32xbf16> -> vector<16xf32>
      %swap3A_187 = arith.index_cast %add3A_162 : i32 to index
      %swap3A_188 = arith.constant 64 : index
      %swap3A_189 = tpu.vector_load %arg12[%swap3A_187, %swap3A_188] {strides = array<i32>} : memref<104x128xf32, #tpu.memory_space<vmem>>, vector<16xf32>,
      tpu.vector_store %arg12[%swap3A_187, %swap3A_188], %unpack3A_185 {strides = array<i32>} : memref<104x128xf32, #tpu.memory_space<vmem>>, vector<16xf32>,
      %swap3A_190 = arith.index_cast %add3A_162 : i32 to index
      %swap3A_191 = arith.constant 80 : index
      %swap3A_192 = tpu.vector_load %arg12[%swap3A_190, %swap3A_191] {strides = array<i32>} : memref<104x128xf32, #tpu.memory_space<vmem>>, vector<16xf32>,
      tpu.vector_store %arg12[%swap3A_190, %swap3A_191], %unpack3A_186 {strides = array<i32>} : memref<104x128xf32, #tpu.memory_space<vmem>>, vector<16xf32>,
      %get3A_193 = arith.index_cast %add3A_162 : i32 to index
      %get3A_194 = arith.constant 96 : index
      %get3A_195 = tpu.vector_load %arg11[%get3A_193, %get3A_194] {strides = array<i32>} : memref<104x128xbf16, #tpu.memory_space<vmem>>, vector<32xbf16>,
      %unpack3A_196 = tpu.unpack_subelements %get3A_195, 0 {pack_format = #tpu.pack_format<interleaved>} : vector<32xbf16> -> vector<16xf32>
      %unpack3A_197 = tpu.unpack_subelements %get3A_195, 1 {pack_format = #tpu.pack_format<interleaved>} : vector<32xbf16> -> vector<16xf32>
      %swap3A_198 = arith.index_cast %add3A_162 : i32 to index
      %swap3A_199 = arith.constant 96 : index
      %swap3A_200 = tpu.vector_load %arg12[%swap3A_198, %swap3A_199] {strides = array<i32>} : memref<104x128xf32, #tpu.memory_space<vmem>>, vector<16xf32>,
      tpu.vector_store %arg12[%swap3A_198, %swap3A_199], %unpack3A_196 {strides = array<i32>} : memref<104x128xf32, #tpu.memory_space<vmem>>, vector<16xf32>,
      %swap3A_201 = arith.index_cast %add3A_162 : i32 to index
      %swap3A_202 = arith.constant 112 : index
      %swap3A_203 = tpu.vector_load %arg12[%swap3A_201, %swap3A_202] {strides = array<i32>} : memref<104x128xf32, #tpu.memory_space<vmem>>, vector<16xf32>,
      tpu.vector_store %arg12[%swap3A_201, %swap3A_202], %unpack3A_197 {strides = array<i32>} : memref<104x128xf32, #tpu.memory_space<vmem>>, vector<16xf32>,
    }
    %scan3A_152 = arith.constant 104 : i32
    "tpu.region"() ({
      %run_scoped3A_158 = tpu.sem_alloc : memref<!tpu.dma_semaphore, #tpu.memory_space<semaphore_mem>>
      %dma_start3A_159 = arith.constant 0 : i32
      %dma_start3A_160 = arith.constant 0 : i32
      %dma_start3A_161 = tpu.memref_slice %arg12[%dma_start3A_159, %dma_start3A_160] : memref<104x128xf32, #tpu.memory_space<vmem>> -> memref<104x128xf32, #tpu.memory_space<vmem>>
      %dma_start3A_162 = arith.constant 0 : i32
      %dma_start3A_163 = tpu.memref_slice %arg4[%arg0, %add3A_147, %dma_start3A_162] : memref<2x10000x128xf32, #tpu.memory_space<hbm>> -> memref<1x104x128xf32, #tpu.memory_space<hbm>>
      %dma_start3A_164 = tpu.memref_squeeze %dma_start3A_163 : memref<1x104x128xf32, #tpu.memory_space<hbm>> -> memref<104x128xf32, #tpu.memory_space<hbm>>
      %dma_start3A_165 = arith.constant 0 : i32
      %dma_start3A_166 = tpu.memref_slice %arg4[%arg0, %add3A_147, %dma_start3A_165] : memref<2x10000x128xf32, #tpu.memory_space<hbm>> -> memref<1x104x128xf32, #tpu.memory_space<hbm>>
      %dma_start3A_167 = tpu.memref_squeeze %dma_start3A_166 : memref<1x104x128xf32, #tpu.memory_space<hbm>> -> memref<104x128xf32, #tpu.memory_space<hbm>>
      %dma_start3A_168 = arith.constant 0 : i32
      %dma_start3A_169 = arith.constant 0 : i32
      %dma_start3A_170 = tpu.memref_slice %arg12[%dma_start3A_168, %dma_start3A_169] : memref<104x128xf32, #tpu.memory_space<vmem>> -> memref<104x128xf32, #tpu.memory_space<vmem>>
      tpu.enqueue_dma source(%dma_start3A_170 : memref<104x128xf32, #tpu.memory_space<vmem>>) target(%dma_start3A_167 : memref<104x128xf32, #tpu.memory_space<hbm>>) target_semaphore(%run_scoped3A_158 : memref<!tpu.dma_semaphore, #tpu.memory_space<semaphore_mem>>)
      %dma_wait3A_171 = arith.constant 0 : i32
      %dma_wait3A_172 = arith.constant 0 : i32
      %dma_wait3A_173 = tpu.memref_slice %arg12[%dma_wait3A_171, %dma_wait3A_172] : memref<104x128xf32, #tpu.memory_space<vmem>> -> memref<104x128xf32, #tpu.memory_space<vmem>>
      %dma_wait3A_174 = arith.constant 0 : i32
      %dma_wait3A_175 = tpu.memref_slice %arg4[%arg0, %add3A_147, %dma_wait3A_174] : memref<2x10000x128xf32, #tpu.memory_space<hbm>> -> memref<1x104x128xf32, #tpu.memory_space<hbm>>
      %dma_wait3A_176 = tpu.memref_squeeze %dma_wait3A_175 : memref<1x104x128xf32, #tpu.memory_space<hbm>> -> memref<104x128xf32, #tpu.memory_space<hbm>>
      %dma_wait3A_177 = arith.constant 0 : i32
      %dma_wait3A_178 = tpu.memref_slice %arg4[%arg0, %add3A_147, %dma_wait3A_177] : memref<2x10000x128xf32, #tpu.memory_space<hbm>> -> memref<1x104x128xf32, #tpu.memory_space<hbm>>
      %dma_wait3A_179 = tpu.memref_squeeze %dma_wait3A_178 : memref<1x104x128xf32, #tpu.memory_space<hbm>> -> memref<104x128xf32, #tpu.memory_space<hbm>>
      %dma_wait3A_180 = arith.constant 0 : i32
      %dma_wait3A_181 = arith.constant 0 : i32
      %dma_wait3A_182 = tpu.memref_slice %arg12[%dma_wait3A_180, %dma_wait3A_181] : memref<104x128xf32, #tpu.memory_space<vmem>> -> memref<104x128xf32, #tpu.memory_space<vmem>>
      tpu.wait_dma2 semaphore(%run_scoped3A_158 : memref<!tpu.dma_semaphore, #tpu.memory_space<semaphore_mem>>) src(%dma_wait3A_182 : memref<104x128xf32, #tpu.memory_space<vmem>>) dst(%dma_wait3A_179 : memref<104x128xf32, #tpu.memory_space<hbm>>)
      tpu.yield
    }) : () -> ()
    %eq3A_153 = arith.constant 15 : i32
    %eq3A_154 = arith.cmpi eq, %arg1, %eq3A_153 : i32
    %convert_element_type3A_155 = arith.extui %eq3A_154 : i1 to i32
    %cond3A_156 = arith.constant 0 : i32
    %cond3A_157 = arith.cmpi ne, %convert_element_type3A_155, %cond3A_156 : i32
    scf.if %cond3A_157 {
      "tpu.region"() ({
        %run_scoped3A_163 = tpu.sem_alloc : memref<!tpu.dma_semaphore, #tpu.memory_space<semaphore_mem>>
        %dma_start3A_164 = arith.constant 0 : i32
        %dma_start3A_165 = arith.constant 0 : i32
        %dma_start3A_166 = tpu.memref_slice %arg11[%dma_start3A_164, %dma_start3A_165] : memref<104x128xbf16, #tpu.memory_space<vmem>> -> memref<16x128xbf16, #tpu.memory_space<vmem>>
        %dma_start3A_167 = arith.constant 9984 : i32
        %dma_start3A_168 = arith.constant 0 : i32
        %dma_start3A_169 = tpu.memref_slice %arg10[%dma_start3A_167, %dma_start3A_168] : memref<10000x128xbf16, #tpu.memory_space<vmem_shared>> -> memref<16x128xbf16, #tpu.memory_space<vmem_shared>>
        %dma_start3A_170 = arith.constant 0 : i32
        %dma_start3A_171 = arith.constant 0 : i32
        %dma_start3A_172 = tpu.memref_slice %arg11[%dma_start3A_170, %dma_start3A_171] : memref<104x128xbf16, #tpu.memory_space<vmem>> -> memref<16x128xbf16, #tpu.memory_space<vmem>>
        %dma_start3A_173 = arith.constant 9984 : i32
        %dma_start3A_174 = arith.constant 0 : i32
        %dma_start3A_175 = tpu.memref_slice %arg10[%dma_start3A_173, %dma_start3A_174] : memref<10000x128xbf16, #tpu.memory_space<vmem_shared>> -> memref<16x128xbf16, #tpu.memory_space<vmem_shared>>
        tpu.enqueue_dma source(%dma_start3A_175 : memref<16x128xbf16, #tpu.memory_space<vmem_shared>>) target(%dma_start3A_172 : memref<16x128xbf16, #tpu.memory_space<vmem>>) target_semaphore(%run_scoped3A_163 : memref<!tpu.dma_semaphore, #tpu.memory_space<semaphore_mem>>)
        %dma_wait3A_176 = arith.constant 0 : i32
        %dma_wait3A_177 = arith.constant 0 : i32
        %dma_wait3A_178 = tpu.memref_slice %arg11[%dma_wait3A_176, %dma_wait3A_177] : memref<104x128xbf16, #tpu.memory_space<vmem>> -> memref<16x128xbf16, #tpu.memory_space<vmem>>
        %dma_wait3A_179 = arith.constant 9984 : i32
        %dma_wait3A_180 = arith.constant 0 : i32
        %dma_wait3A_181 = tpu.memref_slice %arg10[%dma_wait3A_179, %dma_wait3A_180] : memref<10000x128xbf16, #tpu.memory_space<vmem_shared>> -> memref<16x128xbf16, #tpu.memory_space<vmem_shared>>
        %dma_wait3A_182 = arith.constant 0 : i32
        %dma_wait3A_183 = arith.constant 0 : i32
        %dma_wait3A_184 = tpu.memref_slice %arg11[%dma_wait3A_182, %dma_wait3A_183] : memref<104x128xbf16, #tpu.memory_space<vmem>> -> memref<16x128xbf16, #tpu.memory_space<vmem>>
        %dma_wait3A_185 = arith.constant 9984 : i32
        %dma_wait3A_186 = arith.constant 0 : i32
        %dma_wait3A_187 = tpu.memref_slice %arg10[%dma_wait3A_185, %dma_wait3A_186] : memref<10000x128xbf16, #tpu.memory_space<vmem_shared>> -> memref<16x128xbf16, #tpu.memory_space<vmem_shared>>
        tpu.wait_dma2 semaphore(%run_scoped3A_163 : memref<!tpu.dma_semaphore, #tpu.memory_space<semaphore_mem>>) src(%dma_wait3A_187 : memref<16x128xbf16, #tpu.memory_space<vmem_shared>>) dst(%dma_wait3A_184 : memref<16x128xbf16, #tpu.memory_space<vmem>>)
        tpu.yield
      }) : () -> ()
      %scan3A_158 = arith.constant 0 : i32
      %scan3A_159 = arith.constant 16 : i32
      %scan3A_160 = arith.addi %scan3A_158, %scan3A_159 : i32
      %scan3A_161 = arith.constant 1 : i32
      scf.for %scan3A_163 = %scan3A_158 to %scan3A_160 step %scan3A_161  : i32 {
        %mul3A_164 = arith.constant 1 : i32
        %mul3A_165 = arith.muli %scan3A_163, %mul3A_164 : i32
        %add3A_166 = arith.constant 0 : i32
        %add3A_167 = arith.addi %add3A_166, %mul3A_165 : i32
        %get3A = arith.index_cast %add3A_167 : i32 to index
        %get3A_168 = arith.constant 0 : index
        %get3A_169 = tpu.vector_load %arg11[%get3A, %get3A_168] {strides = array<i32>} : memref<104x128xbf16, #tpu.memory_space<vmem>>, vector<32xbf16>,
        %unpack3A = tpu.unpack_subelements %get3A_169, 0 {pack_format = #tpu.pack_format<interleaved>} : vector<32xbf16> -> vector<16xf32>
        %unpack3A_170 = tpu.unpack_subelements %get3A_169, 1 {pack_format = #tpu.pack_format<interleaved>} : vector<32xbf16> -> vector<16xf32>
        %swap3A = arith.index_cast %add3A_167 : i32 to index
        %swap3A_171 = arith.constant 0 : index
        %swap3A_172 = tpu.vector_load %arg12[%swap3A, %swap3A_171] {strides = array<i32>} : memref<104x128xf32, #tpu.memory_space<vmem>>, vector<16xf32>,
        tpu.vector_store %arg12[%swap3A, %swap3A_171], %unpack3A {strides = array<i32>} : memref<104x128xf32, #tpu.memory_space<vmem>>, vector<16xf32>,
        %swap3A_173 = arith.index_cast %add3A_167 : i32 to index
        %swap3A_174 = arith.constant 16 : index
        %swap3A_175 = tpu.vector_load %arg12[%swap3A_173, %swap3A_174] {strides = array<i32>} : memref<104x128xf32, #tpu.memory_space<vmem>>, vector<16xf32>,
        tpu.vector_store %arg12[%swap3A_173, %swap3A_174], %unpack3A_170 {strides = array<i32>} : memref<104x128xf32, #tpu.memory_space<vmem>>, vector<16xf32>,
        %get3A_176 = arith.index_cast %add3A_167 : i32 to index
        %get3A_177 = arith.constant 32 : index
        %get3A_178 = tpu.vector_load %arg11[%get3A_176, %get3A_177] {strides = array<i32>} : memref<104x128xbf16, #tpu.memory_space<vmem>>, vector<32xbf16>,
        %unpack3A_179 = tpu.unpack_subelements %get3A_178, 0 {pack_format = #tpu.pack_format<interleaved>} : vector<32xbf16> -> vector<16xf32>
        %unpack3A_180 = tpu.unpack_subelements %get3A_178, 1 {pack_format = #tpu.pack_format<interleaved>} : vector<32xbf16> -> vector<16xf32>
        %swap3A_181 = arith.index_cast %add3A_167 : i32 to index
        %swap3A_182 = arith.constant 32 : index
        %swap3A_183 = tpu.vector_load %arg12[%swap3A_181, %swap3A_182] {strides = array<i32>} : memref<104x128xf32, #tpu.memory_space<vmem>>, vector<16xf32>,
        tpu.vector_store %arg12[%swap3A_181, %swap3A_182], %unpack3A_179 {strides = array<i32>} : memref<104x128xf32, #tpu.memory_space<vmem>>, vector<16xf32>,
        %swap3A_184 = arith.index_cast %add3A_167 : i32 to index
        %swap3A_185 = arith.constant 48 : index
        %swap3A_186 = tpu.vector_load %arg12[%swap3A_184, %swap3A_185] {strides = array<i32>} : memref<104x128xf32, #tpu.memory_space<vmem>>, vector<16xf32>,
        tpu.vector_store %arg12[%swap3A_184, %swap3A_185], %unpack3A_180 {strides = array<i32>} : memref<104x128xf32, #tpu.memory_space<vmem>>, vector<16xf32>,
        %get3A_187 = arith.index_cast %add3A_167 : i32 to index
        %get3A_188 = arith.constant 64 : index
        %get3A_189 = tpu.vector_load %arg11[%get3A_187, %get3A_188] {strides = array<i32>} : memref<104x128xbf16, #tpu.memory_space<vmem>>, vector<32xbf16>,
        %unpack3A_190 = tpu.unpack_subelements %get3A_189, 0 {pack_format = #tpu.pack_format<interleaved>} : vector<32xbf16> -> vector<16xf32>
        %unpack3A_191 = tpu.unpack_subelements %get3A_189, 1 {pack_format = #tpu.pack_format<interleaved>} : vector<32xbf16> -> vector<16xf32>
        %swap3A_192 = arith.index_cast %add3A_167 : i32 to index
        %swap3A_193 = arith.constant 64 : index
        %swap3A_194 = tpu.vector_load %arg12[%swap3A_192, %swap3A_193] {strides = array<i32>} : memref<104x128xf32, #tpu.memory_space<vmem>>, vector<16xf32>,
        tpu.vector_store %arg12[%swap3A_192, %swap3A_193], %unpack3A_190 {strides = array<i32>} : memref<104x128xf32, #tpu.memory_space<vmem>>, vector<16xf32>,
        %swap3A_195 = arith.index_cast %add3A_167 : i32 to index
        %swap3A_196 = arith.constant 80 : index
        %swap3A_197 = tpu.vector_load %arg12[%swap3A_195, %swap3A_196] {strides = array<i32>} : memref<104x128xf32, #tpu.memory_space<vmem>>, vector<16xf32>,
        tpu.vector_store %arg12[%swap3A_195, %swap3A_196], %unpack3A_191 {strides = array<i32>} : memref<104x128xf32, #tpu.memory_space<vmem>>, vector<16xf32>,
        %get3A_198 = arith.index_cast %add3A_167 : i32 to index
        %get3A_199 = arith.constant 96 : index
        %get3A_200 = tpu.vector_load %arg11[%get3A_198, %get3A_199] {strides = array<i32>} : memref<104x128xbf16, #tpu.memory_space<vmem>>, vector<32xbf16>,
        %unpack3A_201 = tpu.unpack_subelements %get3A_200, 0 {pack_format = #tpu.pack_format<interleaved>} : vector<32xbf16> -> vector<16xf32>
        %unpack3A_202 = tpu.unpack_subelements %get3A_200, 1 {pack_format = #tpu.pack_format<interleaved>} : vector<32xbf16> -> vector<16xf32>
        %swap3A_203 = arith.index_cast %add3A_167 : i32 to index
        %swap3A_204 = arith.constant 96 : index
        %swap3A_205 = tpu.vector_load %arg12[%swap3A_203, %swap3A_204] {strides = array<i32>} : memref<104x128xf32, #tpu.memory_space<vmem>>, vector<16xf32>,
        tpu.vector_store %arg12[%swap3A_203, %swap3A_204], %unpack3A_201 {strides = array<i32>} : memref<104x128xf32, #tpu.memory_space<vmem>>, vector<16xf32>,
        %swap3A_206 = arith.index_cast %add3A_167 : i32 to index
        %swap3A_207 = arith.constant 112 : index
        %swap3A_208 = tpu.vector_load %arg12[%swap3A_206, %swap3A_207] {strides = array<i32>} : memref<104x128xf32, #tpu.memory_space<vmem>>, vector<16xf32>,
        tpu.vector_store %arg12[%swap3A_206, %swap3A_207], %unpack3A_202 {strides = array<i32>} : memref<104x128xf32, #tpu.memory_space<vmem>>, vector<16xf32>,
      }
      %scan3A_162 = arith.constant 16 : i32
      "tpu.region"() ({
        %run_scoped3A_163 = tpu.sem_alloc : memref<!tpu.dma_semaphore, #tpu.memory_space<semaphore_mem>>
        %dma_start3A_164 = arith.constant 0 : i32
        %dma_start3A_165 = arith.constant 0 : i32
        %dma_start3A_166 = tpu.memref_slice %arg12[%dma_start3A_164, %dma_start3A_165] : memref<104x128xf32, #tpu.memory_space<vmem>> -> memref<16x128xf32, #tpu.memory_space<vmem>>
        %dma_start3A_167 = arith.constant 9984 : i32
        %dma_start3A_168 = arith.constant 0 : i32
        %dma_start3A_169 = tpu.memref_slice %arg4[%arg0, %dma_start3A_167, %dma_start3A_168] : memref<2x10000x128xf32, #tpu.memory_space<hbm>> -> memref<1x16x128xf32, #tpu.memory_space<hbm>>
        %dma_start3A_170 = tpu.memref_squeeze %dma_start3A_169 : memref<1x16x128xf32, #tpu.memory_space<hbm>> -> memref<16x128xf32, #tpu.memory_space<hbm>>
        %dma_start3A_171 = arith.constant 9984 : i32
        %dma_start3A_172 = arith.constant 0 : i32
        %dma_start3A_173 = tpu.memref_slice %arg4[%arg0, %dma_start3A_171, %dma_start3A_172] : memref<2x10000x128xf32, #tpu.memory_space<hbm>> -> memref<1x16x128xf32, #tpu.memory_space<hbm>>
        %dma_start3A_174 = tpu.memref_squeeze %dma_start3A_173 : memref<1x16x128xf32, #tpu.memory_space<hbm>> -> memref<16x128xf32, #tpu.memory_space<hbm>>
        %dma_start3A_175 = arith.constant 0 : i32
        %dma_start3A_176 = arith.constant 0 : i32
        %dma_start3A_177 = tpu.memref_slice %arg12[%dma_start3A_175, %dma_start3A_176] : memref<104x128xf32, #tpu.memory_space<vmem>> -> memref<16x128xf32, #tpu.memory_space<vmem>>
        tpu.enqueue_dma source(%dma_start3A_177 : memref<16x128xf32, #tpu.memory_space<vmem>>) target(%dma_start3A_174 : memref<16x128xf32, #tpu.memory_space<hbm>>) target_semaphore(%run_scoped3A_163 : memref<!tpu.dma_semaphore, #tpu.memory_space<semaphore_mem>>)
        %dma_wait3A_178 = arith.constant 0 : i32
        %dma_wait3A_179 = arith.constant 0 : i32
        %dma_wait3A_180 = tpu.memref_slice %arg12[%dma_wait3A_178, %dma_wait3A_179] : memref<104x128xf32, #tpu.memory_space<vmem>> -> memref<16x128xf32, #tpu.memory_space<vmem>>
        %dma_wait3A_181 = arith.constant 9984 : i32
        %dma_wait3A_182 = arith.constant 0 : i32
        %dma_wait3A_183 = tpu.memref_slice %arg4[%arg0, %dma_wait3A_181, %dma_wait3A_182] : memref<2x10000x128xf32, #tpu.memory_space<hbm>> -> memref<1x16x128xf32, #tpu.memory_space<hbm>>
        %dma_wait3A_184 = tpu.memref_squeeze %dma_wait3A_183 : memref<1x16x128xf32, #tpu.memory_space<hbm>> -> memref<16x128xf32, #tpu.memory_space<hbm>>
        %dma_wait3A_185 = arith.constant 9984 : i32
        %dma_wait3A_186 = arith.constant 0 : i32
        %dma_wait3A_187 = tpu.memref_slice %arg4[%arg0, %dma_wait3A_185, %dma_wait3A_186] : memref<2x10000x128xf32, #tpu.memory_space<hbm>> -> memref<1x16x128xf32, #tpu.memory_space<hbm>>
        %dma_wait3A_188 = tpu.memref_squeeze %dma_wait3A_187 : memref<1x16x128xf32, #tpu.memory_space<hbm>> -> memref<16x128xf32, #tpu.memory_space<hbm>>
        %dma_wait3A_189 = arith.constant 0 : i32
        %dma_wait3A_190 = arith.constant 0 : i32
        %dma_wait3A_191 = tpu.memref_slice %arg12[%dma_wait3A_189, %dma_wait3A_190] : memref<104x128xf32, #tpu.memory_space<vmem>> -> memref<16x128xf32, #tpu.memory_space<vmem>>
        tpu.wait_dma2 semaphore(%run_scoped3A_163 : memref<!tpu.dma_semaphore, #tpu.memory_space<semaphore_mem>>) src(%dma_wait3A_191 : memref<16x128xf32, #tpu.memory_space<vmem>>) dst(%dma_wait3A_188 : memref<16x128xf32, #tpu.memory_space<hbm>>)
        tpu.yield
      }) : () -> ()
    } else {
    }
    return
  }
}

module attributes {stable_mosaic.version = 14 : i64} {
  func.func @_mlp_body(%arg0: i32, %arg1: memref<1000x128xf32, #tpu.memory_space<vmem>>, %arg2: memref<2x1000x128xf32, #tpu.memory_space<vmem>>, %arg3: memref<128x128xf32, #tpu.memory_space<vmem>>, %arg4: memref<128x128xf32, #tpu.memory_space<vmem>>, %arg5: memref<1x128xf32, #tpu.memory_space<vmem>>, %arg6: memref<1000x128xf32, #tpu.memory_space<vmem>>) attributes {dimension_semantics = [#tpu.dimension_semantics<arbitrary>], iteration_bounds = array<i64: 10>, scalar_prefetch = 0 : i64, scratch_operands = 0 : i64, tpu.core_type = #tpu.core_type<tc>, window_params = [{transform_indices = @transform_0, window_bounds = array<i64: 1000, 128>}, {transform_indices = @transform_1, window_bounds = array<i64: 2, 1000, 128>}, {pipeline_mode = #tpu.pipeline_mode<synchronous>, transform_indices = @transform_2, window_bounds = array<i64: 128, 128>}, {pipeline_mode = #tpu.pipeline_mode<synchronous>, transform_indices = @transform_3, window_bounds = array<i64: 128, 128>}, {pipeline_mode = #tpu.pipeline_mode<synchronous>, transform_indices = @transform_4, window_bounds = array<i64: 1, 128>}, {transform_indices = @transform_5, window_bounds = array<i64: 1000, 128>}]} {
    %get3A = arith.constant 0 : index
    %get3A_0 = arith.constant 0 : index
    %get3A_1 = arith.constant 0 : index
    %get3A_2 = vector.load %arg2[%get3A, %get3A_0, %get3A_1] : memref<2x1000x128xf32, #tpu.memory_space<vmem>>, vector<1x1000x128xf32>
    %get3A_3 = vector.shape_cast %get3A_2 : vector<1x1000x128xf32> to vector<1000x128xf32>
    %get3A_4 = arith.constant 1 : index
    %get3A_5 = arith.constant 0 : index
    %get3A_6 = arith.constant 0 : index
    %get3A_7 = vector.load %arg2[%get3A_4, %get3A_5, %get3A_6] : memref<2x1000x128xf32, #tpu.memory_space<vmem>>, vector<1x1000x128xf32>
    %get3A_8 = vector.shape_cast %get3A_7 : vector<1x1000x128xf32> to vector<1000x128xf32>
    %add3A = arith.addf %get3A_3, %get3A_8 : vector<1000x128xf32>
    %get3A_9 = arith.constant 0 : index
    %get3A_10 = arith.constant 0 : index
    %get3A_11 = vector.load %arg3[%get3A_9, %get3A_10] : memref<128x128xf32, #tpu.memory_space<vmem>>, vector<128x128xf32>
    %dot_general3A = arith.constant dense<0.000000e+00> : vector<1000x128xf32>
    %dot_general3A_12 = tpu.matmul %add3A, %get3A_11, %dot_general3A {dimension_numbers = #tpu.dot_dimension_numbers<[1], [0], [0], [1], [0, 0, 1, 1], [], []>, transpose_lhs_hint = false} : vector<1000x128xf32>, vector<128x128xf32>, vector<1000x128xf32> -> vector<1000x128xf32>
    %get3A_13 = arith.constant 0 : index
    %get3A_14 = arith.constant 0 : index
    %get3A_15 = vector.load %arg1[%get3A_13, %get3A_14] : memref<1000x128xf32, #tpu.memory_space<vmem>>, vector<1000x128xf32>
    %get3A_16 = arith.constant 0 : index
    %get3A_17 = arith.constant 0 : index
    %get3A_18 = vector.load %arg4[%get3A_16, %get3A_17] : memref<128x128xf32, #tpu.memory_space<vmem>>, vector<128x128xf32>
    %dot_general3A_19 = arith.constant dense<0.000000e+00> : vector<1000x128xf32>
    %dot_general3A_20 = tpu.matmul %get3A_15, %get3A_18, %dot_general3A_19 {dimension_numbers = #tpu.dot_dimension_numbers<[1], [0], [0], [1], [0, 0, 1, 1], [], []>, transpose_lhs_hint = false} : vector<1000x128xf32>, vector<128x128xf32>, vector<1000x128xf32> -> vector<1000x128xf32>
    %sub3A = arith.subf %dot_general3A_12, %dot_general3A_20 : vector<1000x128xf32>
    %get3A_21 = arith.constant 0 : index
    %get3A_22 = arith.constant 0 : index
    %get3A_23 = vector.load %arg5[%get3A_21, %get3A_22] : memref<1x128xf32, #tpu.memory_space<vmem>>, vector<1x128xf32>
    %add3A_24 = vector.broadcast %get3A_23 : vector<1x128xf32> to vector<1000x128xf32>
    %add3A_25 = arith.addf %sub3A, %add3A_24 : vector<1000x128xf32>
    %swap3A = arith.constant 0 : index
    %swap3A_26 = arith.constant 0 : index
    %swap3A_27 = vector.load %arg6[%swap3A, %swap3A_26] : memref<1000x128xf32, #tpu.memory_space<vmem>>, vector<1000x128xf32>
    tpu.vector_store %arg6[%swap3A, %swap3A_26], %add3A_25 {strides = array<i32>} : memref<1000x128xf32, #tpu.memory_space<vmem>>, vector<1000x128xf32>,
    return
  }
  func.func @transform_0(%arg0: i32) -> (i32, i32) {
    %c0_i32 = arith.constant 0 : i32
    %c0_i32_0 = arith.constant 0 : i32
    return %arg0, %c0_i32 : i32, i32
  }
  func.func @transform_1(%arg0: i32) -> (i32, i32, i32) {
    %c0_i32 = arith.constant 0 : i32
    %c0_i32_0 = arith.constant 0 : i32
    %c0_i32_1 = arith.constant 0 : i32
    return %c0_i32, %arg0, %c0_i32_0 : i32, i32, i32
  }
  func.func @transform_2(%arg0: i32) -> (i32, i32) {
    %c0_i32 = arith.constant 0 : i32
    %c0_i32_0 = arith.constant 0 : i32
    %c0_i32_1 = arith.constant 0 : i32
    return %c0_i32, %c0_i32_0 : i32, i32
  }
  func.func @transform_3(%arg0: i32) -> (i32, i32) {
    %c0_i32 = arith.constant 0 : i32
    %c0_i32_0 = arith.constant 0 : i32
    %c0_i32_1 = arith.constant 0 : i32
    return %c0_i32, %c0_i32_0 : i32, i32
  }
  func.func @transform_4(%arg0: i32) -> (i32, i32) {
    %c0_i32 = arith.constant 0 : i32
    %c0_i32_0 = arith.constant 0 : i32
    %c0_i32_1 = arith.constant 0 : i32
    return %c0_i32, %c0_i32_0 : i32, i32
  }
  func.func @transform_5(%arg0: i32) -> (i32, i32) {
    %c0_i32 = arith.constant 0 : i32
    %c0_i32_0 = arith.constant 0 : i32
    return %arg0, %c0_i32 : i32, i32
  }
}

</mosaic_0001>

<sc_bundles>
// kernel: kernel.4.cloned.1.call-start
scs
__scs_entry_jumppad:
0x0: {  	(pc) =	sbr.rel $0x88, $3  }
0x1: {  	(tag) =	ssettag $0x0;
	lr =	simm.s32 $0x1  }
0x2: {  	[smem:$0x3F9D] =	sst lr;
	_ =	strace $0xD0000000  }
0x3: {  	_ = 	snop  }
0x4: {  	_ = 	snop  }
0x5: {  	_ = 	snop  }
0x6: {  	_ = 	snop  }
0x7: {  	_ = 	snop  }
__scs_overlays_trampoline_lowered:
0x8: {  	[smem:$0x3FAC] =	sst s0  }
0x9: {  	[smem:$0x3FAD] =	sst s1  }
0xa: {  	[smem:$0x3FAE] =	sst s2  }
0xb: {  	[smem:$0x3FAF] =	sst s3  }
0xc: {  	[smem:$0x3FB0] =	sst s4  }
0xd: {  	[smem:$0x3FB1] =	sst s5  }
0xe: {  	[smem:$0x3FB2] =	sst s6  }
0xf: {  	[smem:$0x3FB3] =	sst s7  }
0x10: {  	[smem:$0x3FB4] =	sst s8  }
0x11: {  	[smem:$0x3FB5] =	sst s9;
	s0 =	simm.s32 @!p0 $0x0  }
0x12: {  	s1 =	sld [smem:$0x3F9B];
	s0 =	simm.s32 @p0 $0x1  }
0x13: {  	[smem:$0x3FB6] =	sst s0;
	s0 =	simm.s32 @!p1 $0x0  }
0x14: {  	s2 =	sld [smem:$0x3F9A];
	s0 =	simm.s32 @p1 $0x1  }
0x15: {  	[smem:$0x3FB7] =	sst s0;
	s0 =	simm.s32 @!p2 $0x0  }
0x16: {  	s3 =	sld [smem:$0x3FDB];
	s0 =	simm.s32 @p2 $0x1  }
0x17: {  	s4 =	simm.s32 $0x1BF5;
	[smem:$0x3FB9] =	sst s0  }
0x18: {  	s0 =	sld [smem:$0x3F9C];
	_ =	swait.ge [sflag:s4], $0x0  }
0x19: {  	s7 =	sld [smem:$0x3F9D]  }
0x1a: {  	s8 =	sadd.s32 $0xFFFFE003, lr  }
0x1b: {  	s9 =	sadd.s32 $0xFFFFFEF7, lr;
	s5 =	simm.s32 $0xFFFFFFFF;
	p2 =	slt.u32 s8, $0xFFFFF086  }
0x1c: {  	p1 =	slt.u32 s9, $0xF7A;
	s5 =	simm.s32 @!p2 $0x0  }
0x1d: {  	s5 =	simm.s32 @p1 $0x1;
	p0 =	seq.s32 s7, s2  }
0x1e: {  	s7 =	smul.u32 @!p0 $0xF7A, s2;
	p2 =	seq.s32 @!p0 s5, $0x0  }
0x1f: {  	s9 =	smul.u32 $0xF7A, s1;
	s8 =	simm.s32 @!p0 $0x1BF5;
	p2 =	por !p2, p0  }
0x20: {  	[sflag:s8] =	ssyncset.s32 @!p0 $0xFFFFF086;
	s6 =	sadd.s32 @!p0 s3, s7;
	s7 =	simm.s32 @!p0 $0x108  }
0x21: {  	s3 =	sadd.s32 s3, s9;
	s6 =	sadd.s32 @!p0 $0x88, s6;
	s7 =	simm.s32 @p2 $0x1082  }
0x22: {  	[simem:s7], [sflag:s8] =	dma.local @!p0 [hbm:s6], $0xF7A  }
0x23: {  	s9 =	sor.u32 $0xD0000000, s2;
	s6 =	simm.s32 $0x108;
	_ =	swait.ge @!p0 [sflag:s8], $0x0  }
0x24: {  	s3 =	sadd.s32 $0x88, s3;
	s6 =	simm.s32 @!p1 $0x1082;
	[sflag:s4] =	ssyncset.s32 $0xFFFFF086  }
0x25: {  	[simem:s6], [sflag:s4] =	dma.local [hbm:s3], $0xF7A  }
0x26: {  	[smem:$0x3F9D] =	sst s1;
	(tag) =	ssettag s2;
	_ =	strace s9  }
0x27: {  	s1 =	sld [smem:$0x3FAD]  }
0x28: {  	s2 =	sld [smem:$0x3FAE]  }
0x29: {  	s4 =	sld [smem:$0x3FB0]  }
0x2a: {  	p0 =	seq.s32 s5, $0x0;
	s5 =	sld [smem:$0x3FB1]  }
0x2b: {  	s6 =	sld [smem:$0x3FB2]  }
0x2c: {  	s7 =	sld [smem:$0x3FB3]  }
0x2d: {  	s3 =	simm.s32 $0x108;
	s8 =	sld [smem:$0x3FB4]  }
0x2e: {  	s3 =	simm.s32 @!p0 $0x1082;
	s9 =	sld [smem:$0x3FB5]  }
0x2f: {  	lr =	sadd.s32 s0, s3;
	s0 =	sld [smem:$0x3FAC]  }
0x30: {  	s3 =	sld [smem:$0x3FAF]  }
0x31: {  	[smem:$0x3FB8] =	sst s10  }
0x32: {  	s10 =	sld [smem:$0x3FB6];
	_ =	sdelay $0x3  }
0x33: {  	p0 =	seq.s32 s10, $0x1;
	s10 =	sld [smem:$0x3FB8];
	_ =	sdelay $0x3  }
0x34: {  	[smem:$0x3FB8] =	sst s10  }
0x35: {  	s10 =	sld [smem:$0x3FB7];
	_ =	sdelay $0x3  }
0x36: {  	p1 =	seq.s32 s10, $0x1;
	s10 =	sld [smem:$0x3FB8];
	_ =	sdelay $0x3  }
0x37: {  	[smem:$0x3FB8] =	sst s10  }
0x38: {  	s10 =	sld [smem:$0x3FB9]  }
0x39: {  	_ = 	snop;
	(pc) =	sbr.ind lr, $3  }
0x3a: {  	_ = 	snop  }
0x3b: {  	_ = 	snop  }
0x3c: {  	p2 =	seq.s32 s10, $0x1;
	s10 =	sld [smem:$0x3FB8]  }
0x3d: {  	_ =	shalt  }
0x3e: {  	_ =	shalt  }
0x3f: {  	_ =	shalt  }
0x40: {  	_ =	shalt  }
0x41: {  	_ =	shalt  }
0x42: {  	_ =	shalt  }
0x43: {  	_ =	shalt  }
0x44: {  	_ =	shalt  }
0x45: {  	_ =	shalt  }
0x46: {  	_ =	shalt  }
0x47: {  	_ =	shalt  }
0x48: {  	_ =	shalt  }
0x49: {  	_ =	shalt  }
0x4a: {  	_ =	shalt  }
0x4b: {  	_ =	shalt  }
0x4c: {  	_ =	shalt  }
0x4d: {  	_ =	shalt  }
0x4e: {  	_ =	shalt  }
0x4f: {  	_ =	shalt  }
0x50: {  	_ =	shalt  }
0x51: {  	_ =	shalt  }
0x52: {  	_ =	shalt  }
0x53: {  	_ =	shalt  }
0x54: {  	_ =	shalt  }
0x55: {  	_ =	shalt  }
0x56: {  	_ =	shalt  }
0x57: {  	_ =	shalt  }
0x58: {  	_ =	shalt  }
0x59: {  	_ =	shalt  }
0x5a: {  	_ =	shalt  }
0x5b: {  	_ =	shalt  }
0x5c: {  	_ =	shalt  }
0x5d: {  	_ =	shalt  }
0x5e: {  	_ =	shalt  }
0x5f: {  	_ =	shalt  }
0x60: {  	_ =	shalt  }
0x61: {  	_ =	shalt  }
0x62: {  	_ =	shalt  }
0x63: {  	_ =	shalt  }
0x64: {  	_ =	shalt  }
0x65: {  	_ =	shalt  }
0x66: {  	_ =	shalt  }
0x67: {  	_ =	shalt  }
0x68: {  	_ =	shalt  }
0x69: {  	_ =	shalt  }
0x6a: {  	_ =	shalt  }
0x6b: {  	_ =	shalt  }
0x6c: {  	_ =	shalt  }
0x6d: {  	_ =	shalt  }
0x6e: {  	_ =	shalt  }
0x6f: {  	_ =	shalt  }
0x70: {  	_ =	shalt  }
0x71: {  	_ =	shalt  }
0x72: {  	_ =	shalt  }
0x73: {  	_ =	shalt  }
0x74: {  	_ =	shalt  }
0x75: {  	_ =	shalt  }
0x76: {  	_ =	shalt  }
0x77: {  	_ =	shalt  }
0x78: {  	_ =	shalt  }
0x79: {  	_ =	shalt  }
0x7a: {  	_ =	shalt  }
0x7b: {  	_ =	shalt  }
0x7c: {  	_ =	shalt  }
0x7d: {  	_ =	shalt  }
0x7e: {  	_ =	shalt  }
0x7f: {  	_ =	shalt  }
0x80: {  	_ =	shalt  }
0x81: {  	_ =	shalt  }
0x82: {  	_ =	shalt  }
0x83: {  	_ =	shalt  }
0x84: {  	_ =	shalt  }
0x85: {  	_ =	shalt  }
0x86: {  	_ =	shalt  }
0x87: {  	_ =	shalt  }
.Lfunc_end0:
.L_simem_size_0:
called_computation_lowered:
.L_overlay_start_0:
0x88: {  	s2 =	sld [smem:$0x3FD9]  }
0x89: {  	s3 =	sld [smem:$0x3FFE];
	_ =	sdelay $0x1  }
0x8a: {  	s1 =	srdreg.scid  }
0x8b: {  	s0 =	sand.u32 $0x1, s1  }
0x8c: {  	s17 =	sshll.u32 s0, $0xA;
	s2 =	sadd.s32 s3, s2  }
0x8d: {  	s2 =	sadd.s32 s2, s17  }
0x8e: {  	[smem:$0x3FC4] =	sst s2  }
0x8f: {  	_ = 	snop  }
0x90: {  	s2 =	sld [smem:$0x3FD0];
	(tm) =	ssettm $0x1  }
0x91: {  	s18 =	sld [smem:$0x3FFB];
	_ =	sdelay $0x3  }
0x92: {  	_ =	strace s18  }
0x93: {  	s3 =	sld [smem:$0x3FFC];
	_ =	sdelay $0x3  }
0x94: {  	_ =	strace s3  }
0x95: {  	s3 =	sld [smem:$0x3FFD];
	_ =	sdelay $0x3  }
0x96: {  	_ =	strace s3  }
0x97: {  	_ =	strace $0x8FFFFFFF  }
0x98: {  	s19 =	sld [smem:$0x3FDB];
	_ =	sdelay $0x1  }
0x99: {  	s4 =	simm.s32 $_scs_section_size  }
0x9a: {  	s5 =	simm.s32 $_size__tile_overlayer_lowered;
	s6 =	simm.s32 $_tile_overlayer_lowered  }
0x9b: {  	s22 =	simm.s32 $0x1BFF;
	s21 =	sshll.u32 s6, $0x1;
	s3 =	sadd.s32 s4, s19  }
0x9c: {  	s7 =	simm.s32 $0x0;
	s20 =	sshll.u32 s5, $0x1;
	s5 =	sadd.s32 s21, s3  }
0x9d: {  	[timem:s7], [sflag:s22] =	dma.local [hbm:s5], s20  }
0x9e: {  	_ =	swait.ge [sflag:s22], s20  }
0x9f: {  	s4 =	ssub.s32 $0x0, s20;
	[sflag:s22] =	ssyncset.done $0x0  }
0xa0: {  	[sflag:s22] =	ssyncadd.s32 s4;
	_ =	sdelay $0x1  }
0xa1: {  	s23 =	simm.s32 $0x1B8B  }
0xa2: {  	_ =	swait.ge [sflag:s23], $0x1  }
0xa3: {  	[sflag:s23] =	ssyncset.done $0x0  }
0xa4: {  	s25 =	simm.s32 $0x1B8E;
	s24 =	sld [smem:$0x3FFE];
	[sflag:s23] =	ssyncadd.s32 $0xFFFFFFFF  }
0xa5: {  	s26 =	simm.s32 $execute0_lowered;
	[smem:$0x3FD2] =	sst s25  }
0xa6: {  	s5 =	sshll.u32 s26, $0x1;
	_ =	strace $0x80000046;
	[dreg:$0x1] =	wrdreg $0xFFFFFFFF  }
0xa7: {  	s28 =	simm.s32 $_size_execute0_lowered;
	s3 =	sadd.s32 s3, s5;
	[dreg:$0x0] =	wrdreg $0x0  }
0xa8: {  	s5 =	sshll.u32 s28, $0x1;
	[dreg:$0x2] =	wrdreg s3  }
0xa9: {  	[dreg:$0x3] =	wrdreg s5  }
0xaa: {  	[dreg:$0x4] =	wrdreg $0xC0  }
0xab: {  	_ =	task [dreg:s7], $0x5FFFF  }
0xac: {  	[dreg:$0x1] =	wrdreg $0xFFFFFFFF  }
0xad: {  	[dreg:$0x0] =	wrdreg $0x60  }
0xae: {  	[dreg:$0x2] =	wrdreg s2  }
0xaf: {  	[dreg:$0x3] =	wrdreg s24  }
0xb0: {  	[dreg:$0x4] =	wrdreg $0x8A200  }
0xb1: {  	[dreg:$0x5] =	wrdreg $0x9  }
0xb2: {  	_ =	task.clear_ibuf [dreg:s7], $0x6FFFF;
	_ =	strace $0x90000046  }
0xb3: {  	s29 =	simm.s32 $0x9;
	_ =	strace $0x80000048  }
0xb4: {  	_ =	swait.ge [sflag:s29], $0x1  }
0xb5: {  	[sflag:s29] =	ssyncadd.s32 $0xFFFFFFFF  }
0xb6: {  	_ =	strace $0x90000048  }
0xb7: {  	_ =	sfence  }
0xb8: {  	s30 =	sld [smem:$0x0];
	_ =	sdelay $0x2  }
0xb9: {  	s31 =	sshll.u32 s1, $0xD;
	s1 =	sshrl.u32 s1, $0x2  }
0xba: {  	s3 =	sand.u32 $0x4000, s31;
	s1 =	sadd.s32 s1, s30  }
0xbb: {  	s0 =	sor.u32 s3, s0;
	s1 =	sshll.u32 s1, $0x11  }
0xbc: {  	s0 =	sor.u32 s1, s0  }
0xbd: {  	s0 =	sadd.s32 $0x8F2B, s0  }
0xbe: {  	[sflag:s0] =	ssyncadd.remote.s32 $0x1  }
0xbf: {  	_ =	sfence.sel $0xFFFF  }
0xc0: {  	[dreg:$0x0] =	wrdreg $0xFFFFFFFF;
	(pc) =	sbr.abs _section_cstart, $3  }
0xc1: {  	[dreg:$0x1] =	wrdreg $0xFFFFFFFF  }
0xc2: {  	_ =	task.clear_ibuf [dreg:s7], $0x2FFFF;
	_ =	strace $0x9FFFFFFF  }
0xc3: {  	(tm) =	ssettm $0x7FFFFFFF  }
tec
execute0_lowered:
.L_overlay_start_1:
0x0: {  	(tag) =	ssettag $0x1  }
0x1: {  	s0 =	srdreg.scid;
	s1 =	rddreg [dreg:$0x0]  }
0x2: {  	s2 =	rddreg [dreg:$0x1];
	s12 =	stileid.u32  }
0x3: {  	s3 =	rddreg [dreg:$0x2];
	s28 =	simm.s32 $0x50;
	s29 =	simm.s32 $0x4E20  }
0x4: {  	s30 =	simm.s32 $0x6220;
	s31 =	simm.s32 $0x1;
	s0 =	sand.u32 $0x1, s0  }
0x5: {  	s6 =	smul.u32 $0x13800, s12;
	s24 =	sshll.u32 s12, $0x6;
	s11 =	sadd.s32 $0x13800, s1  }
0x6: {  	p0 =	sne.s32 s12, $0xF;
	s4 =	sshll.u32 s0, $0x4;
	s7 =	ssub.s32 $0x2, s0  }
0x7: {  	s0 =	smul.u32 $0x138800, s0;
	s5 =	sor.u32 s12, s4;
	s4 =	simm.s32 $0x0  }
0x8: {  	s22 =	sshrl.u32 s7, $0x1;
	s8 =	sshrl.u32 s6, $0x1;
	s23 =	sshrl.u32 s6, $0x4  }
0x9: {  	s14 =	sadd.s32 $0x3400, s6;
	s17 =	sadd.s32 $0x6800, s6;
	s20 =	sadd.s32 $0x9C00, s6  }
0xa: {  	s12 =	simm.s32 $0x14060;
	s5 =	smul.u32 $0x2710, s5;
	[smem:$0x7FF] =	sst s4  }
0xb: {  	s10 =	ssub.s32 s7, s22;
	s7 =	sadd.s32 s1, s23;
	s26 =	sadd.s32 s6, s0  }
0xc: {  	s15 =	sshrl.u32 s14, $0x1;
	s18 =	sshrl.u32 s17, $0x1;
	s21 =	sshrl.u32 s20, $0x1  }
0xd: {  	s23 =	sadd.s32 $0xD000, s6;
	_ =	strace $0x80000047;
	[dreg:$0x4] =	wrdreg s7  }
0xe: {  	s6 =	sadd.s32 $0x10400, s6;
	s7 =	sor.u32 $0x1C07, s24;
	[dreg:$0x5] =	wrdreg s11  }
0xf: {  	s13 =	sshrl.u32 s26, $0x3;
	s11 =	sadd.s32 s0, s14;
	s24 =	sshrl.u32 s23, $0x1  }
0x10: {  	s26 =	sadd.s32 s0, s6;
	s6 =	sshrl.u32 s6, $0x1;
	s5 =	sshrl.u32 s5, $0x3  }
0x11: {  	s16 =	sshrl.u32 s11, $0x3;
	s11 =	sadd.s32 s0, s17;
	s17 =	sadd.s32 s21, s3  }
0x12: {  	s21 =	sadd.s32 s6, s3;
	s6 =	simm.s32 $0x3;
	s9 =	sadd.s32 s5, s2  }
0x13: {  	s2 =	sadd.s32 $0x15000, s2;
	s5 =	sadd.s32 s8, s3;
	s8 =	sadd.s32 $0x9C000, s3  }
0x14: {  	s19 =	sshrl.u32 s11, $0x3;
	s11 =	sadd.s32 s0, s20;
	s25 =	sadd.s32 $0x1600, s9  }
0x15: {  	s9 =	sadd.s32 $0xB240, s9;
	s22 =	sshrl.u32 s11, $0x3;
	s11 =	sadd.s32 s0, s23  }
0x16: {  	s0 =	sshrl.u32 s0, $0x3;
	s23 =	simm.s32 $0x4;
	[dreg:$0x6] =	wrdreg s25  }
0x17: {  	[dreg:$0x7] =	wrdreg s9;
	s9 =	sadd.s32 s2, s13;
	s25 =	sshrl.u32 s11, $0x3  }
0x18: {  	s0 =	sadd.s32 s2, s0;
	s11 =	simm.s32 $0x12660;
	s13 =	simm.s32 $0x0  }
0x19: {  	[dreg:$0x8] =	wrdreg s9;
	s9 =	sadd.s32 s15, s3;
	s20 =	sadd.s32 s2, s25  }
0x1a: {  	s0 =	sadd.s32 $0x27000, s0;
	s25 =	simm.s32 $0x7;
	[dreg:$0x9] =	wrdreg s9  }
0x1b: {  	s9 =	sadd.s32 s2, s16;
	[dreg:$0xd] =	wrdreg s0;
	s0 =	simm.s32 $0x7620  }
.Ltmp0:
0x1c: {  	[dreg:$0xa] =	wrdreg s9;
	s9 =	sadd.s32 s18, s3;
	(pc) =	sbr.rel .LBB2_1-.Ltmp0, $4  }
0x1d: {  	s18 =	sadd.s32 s2, s22;
	[dreg:$0xb] =	wrdreg s9;
	s9 =	sadd.s32 s2, s19  }
0x1e: {  	s19 =	sadd.s32 s24, s3;
	s24 =	smax.u32 s10, $0x1;
	s10 =	simm.s32 $0x6  }
0x1f: {  	[dreg:$0xc] =	wrdreg s9;
	s9 =	sshrl.u32 s26, $0x3;
	s26 =	simm.s32 $0x2710  }
0x20: {  	s22 =	sadd.s32 s2, s9;
	s2 =	simm.s32 $0x2;
	s9 =	simm.s32 $0x5  }
.LBB2_18:
0x21: {  	v1 =	vunpack.i.l.bf16.f32 v0;
	s14 =	sadd.s32 $0x80, s14  }
0x22: {  	v60 =	vunpack.i.u.bf16.f32 v0;
	[tilespmem:s14+$0xFFFFFFC0] =	vst v1  }
0x23: {  	[tilespmem:s14+$0xFFFFFFD0] =	vst v60  }
0x24: {  	v0 =	vld [tilespmem:s15+$0x12670];
	_ =	sdelay $0x4  }
0x25: {  	v61 =	vunpack.i.l.bf16.f32 v0  }
0x26: {  	v0 =	vunpack.i.u.bf16.f32 v0;
	[tilespmem:s14+$0xFFFFFFE0] =	vst v61  }
0x27: {  	[tilespmem:s14+$0xFFFFFFF0] =	vst v0  }
0x28: {  	v0 =	vld [tilespmem:s15+$0x12680];
	_ =	sdelay $0x4  }
0x29: {  	v62 =	vunpack.i.u.bf16.f32 v0  }
0x2a: {  	v0 =	vunpack.i.l.bf16.f32 v0;
	[tilespmem:s14+$0x10] =	vst v62  }
0x2b: {  	[tilespmem:s14+$0x0] =	vst v0  }
0x2c: {  	v0 =	vld [tilespmem:s15+$0x12690];
	_ =	sdelay $0x4  }
0x2d: {  	v63 =	vunpack.i.l.bf16.f32 v0  }
0x2e: {  	v0 =	vunpack.i.u.bf16.f32 v0;
	[tilespmem:s14+$0x20] =	vst v63  }
0x2f: {  	s16 =	rddreg [dreg:$0xd];
	[tilespmem:s14+$0x30] =	vst v0  }
0x30: {  	[hbm4b:s16+s4] =	stream.linear.scatter [tilespmem:s12], [sflag:$0x7], $0x800, $0x38;
	[tilespmem:$0x17460] =	vst v63  }
0x31: {  	_ =	swait.ge [sflag:s25], $0x800  }
0x32: {  	[sflag:s25] =	ssyncset.done $0x0  }
0x33: {  	[sflag:s25] =	ssyncadd.s32 $0xFFFFF800  }
.LBB2_19:
0x34: {  	s13 =	sadd.s32 $0x1, s13  }
0x35: {  	p1 =	sne.s32 s13, s24  }
.Ltmp1:
0x36: {  	_ = 	snop;
	(pc) =	sbr.rel @!p1 .LBB2_20-.Ltmp1, $1  }
0x37: {  	_ =	sdelay $0x3  }
.LBB2_1:
0x38: {  	s14 =	sshrl.u32 s5, $0x3;
	s15 =	rddreg [dreg:$0x4]  }
0x39: {  	[spmem:s14], [sflag:s7] =	dma.local [hbm:s15], $0x1380  }
0x3a: {  	_ =	swait.ge [sflag:s25], $0x1380  }
0x3b: {  	[sflag:s25] =	ssyncset.done $0x0  }
0x3c: {  	s14 =	sshrl.u32 @!p0 s8, $0x3;
	s15 =	rddreg [dreg:$0x5];
	[sflag:s25] =	ssyncadd.s32 $0xFFFFEC80  }
0x3d: {  	[spmem:s14], [sflag:s7] =	dma.local @!p0 [hbm:s15], $0x80  }
0x3e: {  	s14 =	simm.s32 @!p0 $0x7  }
0x3f: {  	_ =	swait.ge @!p0 [sflag:s14], $0x80  }
0x40: {  	[sflag:s14] =	ssyncset.done @!p0 $0x0  }
0x41: {  	[sflag:s14] =	ssyncadd.s32 @!p0 $0xFFFFFF80  }
0x42: {  	[bflag:$0x0] =	sbarrier.arrive $0xFFFF  }
0x43: {  	s15 =	rddreg [dreg:$0x6]  }
0x44: {  	[tilespmem:s4], [sflag:$0x7] =	stream.linear.gather [hbm4b:s15+s4], $0x2710, $0x38;
	[tilespmem:$0x17460] =	vst v63  }
0x45: {  	_ =	swait.ge [sflag:s25], $0x2710  }
0x46: {  	[sflag:s25] =	ssyncset.done $0x0  }
0x47: {  	s16 =	rddreg [dreg:$0x7];
	[sflag:s25] =	ssyncadd.s32 $0xFFFFD8F0  }
0x48: {  	[tilespmem:s26], [sflag:$0x7] =	stream.linear.gather [hbm4b:s16+s4], $0x2710, $0x38;
	[tilespmem:$0x17460] =	vst v63  }
0x49: {  	_ =	swait.ge [sflag:s25], $0x2710  }
0x4a: {  	[sflag:s25] =	ssyncset.done $0x0  }
0x4b: {  	[sflag:s25] =	ssyncadd.s32 $0xFFFFD8F0  }
0x4c: {  	[tilespmem:s29], [sflag:$0x1] =	stream.indirect.gather [hbm4b:s1+s28], $0x40, s4, s28, $0xb8;
	[tilespmem:$0x17460] =	vst v63  }
0x4d: {  	_ = 	snop  }
0x4e: {  	[tilespmem:s30], [sflag:$0x2] =	stream.indirect.gather [hbm4b:s1+s28], $0x40, s28, s28, $0xb8;
	[tilespmem:$0x17460] =	vst v63  }
0x4f: {  	_ =	swait.ge [sflag:s31], $0x1400  }
0x50: {  	[sflag:s31] =	ssyncset.done $0x0  }
0x51: {  	[sflag:s31] =	ssyncadd.s32 $0xFFFFEC00  }
0x52: {  	[spmem:s3] =	stream.indirect.scatter.add.bf16 [tilespmem:s29], [sflag:$0x4], $0x40, s26, s28, $0xb8;
	[tilespmem:$0x17460] =	vst v63  }
0x53: {  	s15 =	simm.s32 $0xA0  }
0x54: {  	[tilespmem:s0], [sflag:$0x3] =	stream.indirect.gather [hbm4b:s1+s28], $0x40, s15, s28, $0xb8;
	[tilespmem:$0x17460] =	vst v63  }
0x55: {  	_ =	swait.ge [sflag:s2], $0x1400  }
0x56: {  	[sflag:s2] =	ssyncset.done $0x0  }
0x57: {  	s16 =	simm.s32 $0x2760;
	[sflag:s2] =	ssyncadd.s32 $0xFFFFEC00  }
0x58: {  	[spmem:s3] =	stream.indirect.scatter.add.bf16 [tilespmem:s30], [sflag:$0x5], $0x40, s16, s28, $0xb8;
	[tilespmem:$0x17460] =	vst v63  }
0x59: {  	_ =	swait.ge [sflag:s23], $0x1400  }
0x5a: {  	[sflag:s23] =	ssyncset.done $0x0  }
0x5b: {  	s15 =	simm.s32 $0xF0;
	[sflag:s23] =	ssyncadd.s32 $0xFFFFEC00  }
0x5c: {  	[tilespmem:s29], [sflag:$0x1] =	stream.indirect.gather [hbm4b:s1+s28], $0x40, s15, s28, $0xb8;
	[tilespmem:$0x17460] =	vst v63  }
0x5d: {  	_ =	swait.ge [sflag:s6], $0x1400  }
0x5e: {  	[sflag:s6] =	ssyncset.done $0x0  }
0x5f: {  	s16 =	simm.s32 $0x27B0;
	[sflag:s6] =	ssyncadd.s32 $0xFFFFEC00  }
0x60: {  	[spmem:s3] =	stream.indirect.scatter.add.bf16 [tilespmem:s0], [sflag:$0x6], $0x40, s16, s28, $0xb8;
	[tilespmem:$0x17460] =	vst v63  }
0x61: {  	_ =	swait.ge [sflag:s9], $0x1400  }
0x62: {  	[sflag:s9] =	ssyncset.done $0x0  }
0x63: {  	s15 =	simm.s32 $0x140;
	[sflag:s9] =	ssyncadd.s32 $0xFFFFEC00  }
0x64: {  	[tilespmem:s30], [sflag:$0x2] =	stream.indirect.gather [hbm4b:s1+s28], $0x40, s15, s28, $0xb8;
	[tilespmem:$0x17460] =	vst v63  }
0x65: {  	_ =	swait.ge [sflag:s31], $0x1400  }
0x66: {  	[sflag:s31] =	ssyncset.done $0x0  }
0x67: {  	s16 =	simm.s32 $0x2800;
	[sflag:s31] =	ssyncadd.s32 $0xFFFFEC00  }
0x68: {  	[spmem:s3] =	stream.indirect.scatter.add.bf16 [tilespmem:s29], [sflag:$0x4], $0x40, s16, s28, $0xb8;
	[tilespmem:$0x17460] =	vst v63  }
0x69: {  	_ =	swait.ge [sflag:s10], $0x1400  }
0x6a: {  	[sflag:s10] =	ssyncset.done $0x0  }
0x6b: {  	s14 =	simm.s32 $0x3C0;
	s15 =	simm.s32 $0x190;
	[sflag:s10] =	ssyncadd.s32 $0xFFFFEC00  }
.LBB2_2:
0x6c: {  	[tilespmem:s0], [sflag:$0x3] =	stream.indirect.gather [hbm4b:s1+s28], $0x40, s15, s28, $0xb8;
	[tilespmem:$0x17460] =	vst v63  }
0x6d: {  	s15 =	smov.u32 s14  }
0x6e: {  	p1 =	sne.s32 s14, $0x9240;
	s14 =	sadd.s32 $0x3C0, s14;
	_ =	swait.ge [sflag:s2], $0x1400  }
0x6f: {  	s15 =	sshra.s32 s15, $0x2;
	[sflag:s2] =	ssyncset.done $0x0  }
0x70: {  	s16 =	sadd.s32 $0x2760, s15;
	[sflag:s2] =	ssyncadd.s32 $0xFFFFEC00  }
0x71: {  	[spmem:s3] =	stream.indirect.scatter.add.bf16 [tilespmem:s30], [sflag:$0x5], $0x40, s16, s28, $0xb8;
	[tilespmem:$0x17460] =	vst v63  }
0x72: {  	_ =	swait.ge [sflag:s23], $0x1400  }
0x73: {  	[sflag:s23] =	ssyncset.done $0x0  }
0x74: {  	s16 =	sadd.s32 $0xF0, s15;
	[sflag:s23] =	ssyncadd.s32 $0xFFFFEC00  }
0x75: {  	[tilespmem:s29], [sflag:$0x1] =	stream.indirect.gather [hbm4b:s1+s28], $0x40, s16, s28, $0xb8;
	[tilespmem:$0x17460] =	vst v63  }
0x76: {  	_ =	swait.ge [sflag:s6], $0x1400  }
0x77: {  	[sflag:s6] =	ssyncset.done $0x0  }
0x78: {  	s16 =	sadd.s32 $0x27B0, s15;
	[sflag:s6] =	ssyncadd.s32 $0xFFFFEC00  }
0x79: {  	[spmem:s3] =	stream.indirect.scatter.add.bf16 [tilespmem:s0], [sflag:$0x6], $0x40, s16, s28, $0xb8;
	[tilespmem:$0x17460] =	vst v63  }
0x7a: {  	_ =	swait.ge [sflag:s9], $0x1400  }
0x7b: {  	[sflag:s9] =	ssyncset.done $0x0  }
0x7c: {  	s16 =	sadd.s32 $0x140, s15;
	[sflag:s9] =	ssyncadd.s32 $0xFFFFEC00  }
0x7d: {  	[tilespmem:s30], [sflag:$0x2] =	stream.indirect.gather [hbm4b:s1+s28], $0x40, s16, s28, $0xb8;
	[tilespmem:$0x17460] =	vst v63  }
0x7e: {  	_ =	swait.ge [sflag:s31], $0x1400  }
0x7f: {  	[sflag:s31] =	ssyncset.done $0x0  }
.Ltmp2:
0x80: {  	s16 =	sadd.s32 $0x2800, s15;
	[sflag:s31] =	ssyncadd.s32 $0xFFFFEC00;
	(pc) =	sbr.rel @p1 .LBB2_2-.Ltmp2, $4  }
0x81: {  	[spmem:s3] =	stream.indirect.scatter.add.bf16 [tilespmem:s29], [sflag:$0x4], $0x40, s16, s28, $0xb8;
	[tilespmem:$0x17460] =	vst v63  }
0x82: {  	_ =	swait.ge [sflag:s10], $0x1400  }
0x83: {  	[sflag:s10] =	ssyncset.done $0x0  }
0x84: {  	s15 =	sadd.s32 $0x190, s15;
	[sflag:s10] =	ssyncadd.s32 $0xFFFFEC00  }
0x85: {  	[tilespmem:s0], [sflag:$0x3] =	stream.indirect.gather [hbm4b:s1+s28], $0x40, s15, s28, $0xb8;
	[tilespmem:$0x17460] =	vst v63  }
0x86: {  	_ =	swait.ge [sflag:s2], $0x1400  }
0x87: {  	[sflag:s2] =	ssyncset.done $0x0  }
0x88: {  	s14 =	simm.s32 $0x4CE0;
	[sflag:s2] =	ssyncadd.s32 $0xFFFFEC00  }
0x89: {  	[spmem:s3] =	stream.indirect.scatter.add.bf16 [tilespmem:s30], [sflag:$0x5], $0x40, s14, s28, $0xb8;
	[tilespmem:$0x17460] =	vst v63  }
0x8a: {  	_ =	swait.ge [sflag:s23], $0x1400  }
0x8b: {  	[sflag:s23] =	ssyncset.done $0x0  }
0x8c: {  	s15 =	simm.s32 $0x2670;
	[sflag:s23] =	ssyncadd.s32 $0xFFFFEC00  }
0x8d: {  	[tilespmem:s29], [sflag:$0x1] =	stream.indirect.gather [hbm4b:s1+s28], $0x40, s15, s28, $0xb8;
	[tilespmem:$0x17460] =	vst v63  }
0x8e: {  	_ =	swait.ge [sflag:s6], $0x1400  }
0x8f: {  	[sflag:s6] =	ssyncset.done $0x0  }
0x90: {  	s16 =	simm.s32 $0x4D30;
	[sflag:s6] =	ssyncadd.s32 $0xFFFFEC00  }
0x91: {  	[spmem:s3] =	stream.indirect.scatter.add.bf16 [tilespmem:s0], [sflag:$0x6], $0x40, s16, s28, $0xb8;
	[tilespmem:$0x17460] =	vst v63  }
0x92: {  	_ =	swait.ge [sflag:s9], $0x1400  }
0x93: {  	[sflag:s9] =	ssyncset.done $0x0  }
0x94: {  	s15 =	simm.s32 $0x26C0;
	[sflag:s9] =	ssyncadd.s32 $0xFFFFEC00  }
0x95: {  	[tilespmem:s30], [sflag:$0x2] =	stream.indirect.gather [hbm4b:s1+s28], $0x40, s15, s28, $0xb8;
	[tilespmem:$0x17460] =	vst v63  }
0x96: {  	_ =	swait.ge [sflag:s31], $0x1400  }
0x97: {  	[sflag:s31] =	ssyncset.done $0x0  }
0x98: {  	s16 =	simm.s32 $0x4D80;
	[sflag:s31] =	ssyncadd.s32 $0xFFFFEC00  }
0x99: {  	[spmem:s3] =	stream.indirect.scatter.add.bf16 [tilespmem:s29], [sflag:$0x4], $0x40, s16, s28, $0xb8;
	[tilespmem:$0x17460] =	vst v63  }
0x9a: {  	_ =	swait.ge [sflag:s10], $0x1400  }
0x9b: {  	[sflag:s10] =	ssyncset.done $0x0  }
0x9c: {  	[sflag:s10] =	ssyncadd.s32 $0xFFFFEC00  }
0x9d: {  	_ =	swait.ge [sflag:s2], $0x1400  }
0x9e: {  	[sflag:s2] =	ssyncset.done $0x0  }
0x9f: {  	s15 =	simm.s32 $0x4DD0;
	[sflag:s2] =	ssyncadd.s32 $0xFFFFEC00  }
0xa0: {  	[spmem:s3] =	stream.indirect.scatter.add.bf16 [tilespmem:s30], [sflag:$0x5], $0x40, s15, s28, $0xb8;
	[tilespmem:$0x17460] =	vst v63  }
0xa1: {  	_ =	swait.ge [sflag:s23], $0x1400  }
0xa2: {  	[sflag:s23] =	ssyncset.done $0x0  }
0xa3: {  	[sflag:s23] =	ssyncadd.s32 $0xFFFFEC00  }
0xa4: {  	_ =	swait.ge [sflag:s9], $0x1400  }
0xa5: {  	[sflag:s9] =	ssyncset.done $0x0  }
0xa6: {  	[sflag:s9] =	ssyncadd.s32 $0xFFFFEC00  }
0xa7: {  	[bflag:$0x0] =	sbarrier.arrive $0xFFFF  }
0xa8: {  	[tilespmem:s11], [sflag:$0x7] =	stream.linear.gather [spmem:s5], $0x1A00, $0x38;
	[tilespmem:$0x17460] =	vst v63  }
0xa9: {  	_ =	swait.ge [sflag:s25], $0x1A00  }
0xaa: {  	[sflag:s25] =	ssyncset.done $0x0  }
0xab: {  	s16 =	simm.s32 $0x0;
	[sflag:s25] =	ssyncadd.s32 $0xFFFFE600  }
0xac: {  	v0 =	vld [tilespmem:s16+$0x12660];
	_ =	sdelay $0x4  }
0xad: {  	s14 =	simm.s32 $0x140A0;
	v1 =	vunpack.i.l.bf16.f32 v0  }
0xae: {  	v0 =	vunpack.i.u.bf16.f32 v0;
	[tilespmem:s14+$0xFFFFFFC0] =	vst v1  }
0xaf: {  	[tilespmem:s14+$0xFFFFFFD0] =	vst v0  }
0xb0: {  	v0 =	vld [tilespmem:s16+$0x12670];
	_ =	sdelay $0x4  }
0xb1: {  	v1 =	vunpack.i.l.bf16.f32 v0  }
0xb2: {  	v0 =	vunpack.i.u.bf16.f32 v0;
	[tilespmem:s14+$0xFFFFFFE0] =	vst v1  }
0xb3: {  	[tilespmem:s14+$0xFFFFFFF0] =	vst v0  }
0xb4: {  	v0 =	vld [tilespmem:s16+$0x12680];
	_ =	sdelay $0x4  }
0xb5: {  	v1 =	vunpack.i.u.bf16.f32 v0  }
0xb6: {  	v0 =	vunpack.i.l.bf16.f32 v0;
	[tilespmem:s14+$0x10] =	vst v1  }
0xb7: {  	[tilespmem:s14+$0x0] =	vst v0  }
0xb8: {  	v0 =	vld [tilespmem:s16+$0x12690];
	_ =	sdelay $0x4  }
0xb9: {  	v1 =	vunpack.i.l.bf16.f32 v0  }
0xba: {  	v0 =	vunpack.i.u.bf16.f32 v0;
	[tilespmem:s14+$0x20] =	vst v1  }
0xbb: {  	s15 =	simm.s32 $0x40;
	[tilespmem:s14+$0x30] =	vst v0  }
0xbc: {  	v0 =	vld [tilespmem:s15+$0x12660]  }
0xbd: {  	s16 =	simm.s32 $0x200  }
.LBB2_4:
0xbe: {  	p1 =	sne.s32 s16, $0x6700;
	_ =	sdelay $0x2  }
0xbf: {  	s14 =	sadd.s32 $0x80, s14;
	v1 =	vunpack.i.l.bf16.f32 v0  }
0xc0: {  	v0 =	vunpack.i.u.bf16.f32 v0;
	[tilespmem:s14+$0xFFFFFFC0] =	vst v1  }
0xc1: {  	[tilespmem:s14+$0xFFFFFFD0] =	vst v0  }
0xc2: {  	v0 =	vld [tilespmem:s15+$0x12670];
	_ =	sdelay $0x4  }
0xc3: {  	v1 =	vunpack.i.l.bf16.f32 v0  }
0xc4: {  	v0 =	vunpack.i.u.bf16.f32 v0;
	[tilespmem:s14+$0xFFFFFFE0] =	vst v1  }
0xc5: {  	[tilespmem:s14+$0xFFFFFFF0] =	vst v0  }
0xc6: {  	v0 =	vld [tilespmem:s15+$0x12680];
	_ =	sdelay $0x4  }
0xc7: {  	v1 =	vunpack.i.u.bf16.f32 v0;
	v0 =	vunpack.i.l.bf16.f32 v0  }
0xc8: {  	[tilespmem:s14+$0x10] =	vst v1  }
0xc9: {  	[tilespmem:s14+$0x0] =	vst v0  }
0xca: {  	v0 =	vld [tilespmem:s15+$0x12690];
	_ =	sdelay $0x4  }
.Ltmp3:
0xcb: {  	v1 =	vunpack.i.u.bf16.f32 v0;
	v0 =	vunpack.i.l.bf16.f32 v0;
	(pc) =	sbr.rel @p1 .LBB2_4-.Ltmp3, $4  }
0xcc: {  	[tilespmem:s14+$0x20] =	vst v0  }
0xcd: {  	s15 =	sshra.s32 s16, $0x2;
	[tilespmem:s14+$0x30] =	vst v1  }
0xce: {  	v0 =	vld [tilespmem:s15+$0x12660]  }
0xcf: {  	s16 =	sadd.s32 $0x100, s16  }
0xd0: {  	_ =	sdelay $0x2  }
0xd1: {  	s14 =	sadd.s32 $0x80, s14;
	v1 =	vunpack.i.l.bf16.f32 v0  }
0xd2: {  	v0 =	vunpack.i.u.bf16.f32 v0;
	[tilespmem:s14+$0xFFFFFFC0] =	vst v1  }
0xd3: {  	[tilespmem:s14+$0xFFFFFFD0] =	vst v0  }
0xd4: {  	v0 =	vld [tilespmem:s15+$0x12670];
	_ =	sdelay $0x4  }
0xd5: {  	v1 =	vunpack.i.l.bf16.f32 v0  }
0xd6: {  	v0 =	vunpack.i.u.bf16.f32 v0;
	[tilespmem:s14+$0xFFFFFFE0] =	vst v1  }
0xd7: {  	[tilespmem:s14+$0xFFFFFFF0] =	vst v0  }
0xd8: {  	v0 =	vld [tilespmem:s15+$0x12680];
	_ =	sdelay $0x4  }
0xd9: {  	v1 =	vunpack.i.u.bf16.f32 v0  }
0xda: {  	v0 =	vunpack.i.l.bf16.f32 v0;
	[tilespmem:s14+$0x10] =	vst v1  }
0xdb: {  	[tilespmem:s14+$0x0] =	vst v0  }
0xdc: {  	v0 =	vld [tilespmem:s15+$0x12690];
	_ =	sdelay $0x4  }
0xdd: {  	v1 =	vunpack.i.l.bf16.f32 v0  }
0xde: {  	v0 =	vunpack.i.u.bf16.f32 v0;
	[tilespmem:s14+$0x20] =	vst v1  }
0xdf: {  	s16 =	rddreg [dreg:$0x8];
	s15 =	simm.s32 $0x0;
	[tilespmem:s14+$0x30] =	vst v0  }
0xe0: {  	[hbm4b:s16+s15] =	stream.linear.scatter [tilespmem:s12], [sflag:$0x7], $0x3400, $0x38;
	[tilespmem:$0x17460] =	vst v63  }
0xe1: {  	_ =	swait.ge [sflag:s25], $0x3400  }
0xe2: {  	[sflag:s25] =	ssyncset.done $0x0  }
0xe3: {  	s15 =	rddreg [dreg:$0x9];
	[sflag:s25] =	ssyncadd.s32 $0xFFFFCC00  }
0xe4: {  	[tilespmem:s11], [sflag:$0x7] =	stream.linear.gather [spmem:s15], $0x1A00, $0x38;
	[tilespmem:$0x17460] =	vst v63  }
0xe5: {  	_ =	swait.ge [sflag:s25], $0x1A00  }
0xe6: {  	[sflag:s25] =	ssyncset.done $0x0  }
0xe7: {  	s16 =	simm.s32 $0x0;
	[sflag:s25] =	ssyncadd.s32 $0xFFFFE600  }
0xe8: {  	v0 =	vld [tilespmem:s16+$0x12660];
	_ =	sdelay $0x4  }
0xe9: {  	s14 =	simm.s32 $0x140A0;
	v1 =	vunpack.i.l.bf16.f32 v0  }
0xea: {  	v0 =	vunpack.i.u.bf16.f32 v0;
	[tilespmem:s14+$0xFFFFFFC0] =	vst v1  }
0xeb: {  	[tilespmem:s14+$0xFFFFFFD0] =	vst v0  }
0xec: {  	v0 =	vld [tilespmem:s16+$0x12670];
	_ =	sdelay $0x4  }
0xed: {  	v1 =	vunpack.i.l.bf16.f32 v0  }
0xee: {  	v0 =	vunpack.i.u.bf16.f32 v0;
	[tilespmem:s14+$0xFFFFFFE0] =	vst v1  }
0xef: {  	[tilespmem:s14+$0xFFFFFFF0] =	vst v0  }
0xf0: {  	v0 =	vld [tilespmem:s16+$0x12680];
	_ =	sdelay $0x4  }
0xf1: {  	v1 =	vunpack.i.u.bf16.f32 v0  }
0xf2: {  	v0 =	vunpack.i.l.bf16.f32 v0;
	[tilespmem:s14+$0x10] =	vst v1  }
0xf3: {  	[tilespmem:s14+$0x0] =	vst v0  }
0xf4: {  	v0 =	vld [tilespmem:s16+$0x12690];
	_ =	sdelay $0x4  }
0xf5: {  	v1 =	vunpack.i.l.bf16.f32 v0  }
0xf6: {  	v0 =	vunpack.i.u.bf16.f32 v0;
	[tilespmem:s14+$0x20] =	vst v1  }
0xf7: {  	s15 =	simm.s32 $0x40;
	[tilespmem:s14+$0x30] =	vst v0  }
0xf8: {  	v0 =	vld [tilespmem:s15+$0x12660]  }
0xf9: {  	s16 =	simm.s32 $0x200  }
.LBB2_6:
0xfa: {  	p1 =	sne.s32 s16, $0x6700;
	_ =	sdelay $0x2  }
0xfb: {  	s14 =	sadd.s32 $0x80, s14;
	v1 =	vunpack.i.l.bf16.f32 v0  }
0xfc: {  	v0 =	vunpack.i.u.bf16.f32 v0;
	[tilespmem:s14+$0xFFFFFFC0] =	vst v1  }
0xfd: {  	[tilespmem:s14+$0xFFFFFFD0] =	vst v0  }
0xfe: {  	v0 =	vld [tilespmem:s15+$0x12670];
	_ =	sdelay $0x4  }
0xff: {  	v1 =	vunpack.i.l.bf16.f32 v0  }
0x100: {  	v0 =	vunpack.i.u.bf16.f32 v0;
	[tilespmem:s14+$0xFFFFFFE0] =	vst v1  }
0x101: {  	[tilespmem:s14+$0xFFFFFFF0] =	vst v0  }
0x102: {  	v0 =	vld [tilespmem:s15+$0x12680];
	_ =	sdelay $0x4  }
0x103: {  	v1 =	vunpack.i.u.bf16.f32 v0;
	v0 =	vunpack.i.l.bf16.f32 v0  }
0x104: {  	[tilespmem:s14+$0x10] =	vst v1  }
0x105: {  	[tilespmem:s14+$0x0] =	vst v0  }
0x106: {  	v0 =	vld [tilespmem:s15+$0x12690];
	_ =	sdelay $0x4  }
.Ltmp4:
0x107: {  	v1 =	vunpack.i.u.bf16.f32 v0;
	v0 =	vunpack.i.l.bf16.f32 v0;
	(pc) =	sbr.rel @p1 .LBB2_6-.Ltmp4, $4  }
0x108: {  	[tilespmem:s14+$0x20] =	vst v0  }
0x109: {  	s15 =	sshra.s32 s16, $0x2;
	[tilespmem:s14+$0x30] =	vst v1  }
0x10a: {  	v0 =	vld [tilespmem:s15+$0x12660]  }
0x10b: {  	s16 =	sadd.s32 $0x100, s16  }
0x10c: {  	_ =	sdelay $0x2  }
0x10d: {  	s14 =	sadd.s32 $0x80, s14;
	v1 =	vunpack.i.l.bf16.f32 v0  }
0x10e: {  	v0 =	vunpack.i.u.bf16.f32 v0;
	[tilespmem:s14+$0xFFFFFFC0] =	vst v1  }
0x10f: {  	[tilespmem:s14+$0xFFFFFFD0] =	vst v0  }
0x110: {  	v0 =	vld [tilespmem:s15+$0x12670];
	_ =	sdelay $0x4  }
0x111: {  	v1 =	vunpack.i.l.bf16.f32 v0  }
0x112: {  	v0 =	vunpack.i.u.bf16.f32 v0;
	[tilespmem:s14+$0xFFFFFFE0] =	vst v1  }
0x113: {  	[tilespmem:s14+$0xFFFFFFF0] =	vst v0  }
0x114: {  	v0 =	vld [tilespmem:s15+$0x12680];
	_ =	sdelay $0x4  }
0x115: {  	v1 =	vunpack.i.u.bf16.f32 v0  }
0x116: {  	v0 =	vunpack.i.l.bf16.f32 v0;
	[tilespmem:s14+$0x10] =	vst v1  }
0x117: {  	[tilespmem:s14+$0x0] =	vst v0  }
0x118: {  	v0 =	vld [tilespmem:s15+$0x12690];
	_ =	sdelay $0x4  }
0x119: {  	v1 =	vunpack.i.l.bf16.f32 v0  }
0x11a: {  	v0 =	vunpack.i.u.bf16.f32 v0;
	[tilespmem:s14+$0x20] =	vst v1  }
0x11b: {  	s16 =	rddreg [dreg:$0xa];
	s15 =	simm.s32 $0x0;
	[tilespmem:s14+$0x30] =	vst v0  }
0x11c: {  	[hbm4b:s16+s15] =	stream.linear.scatter [tilespmem:s12], [sflag:$0x7], $0x3400, $0x38;
	[tilespmem:$0x17460] =	vst v63  }
0x11d: {  	_ =	swait.ge [sflag:s25], $0x3400  }
0x11e: {  	[sflag:s25] =	ssyncset.done $0x0  }
0x11f: {  	s15 =	rddreg [dreg:$0xb];
	[sflag:s25] =	ssyncadd.s32 $0xFFFFCC00  }
0x120: {  	[tilespmem:s11], [sflag:$0x7] =	stream.linear.gather [spmem:s15], $0x1A00, $0x38;
	[tilespmem:$0x17460] =	vst v63  }
0x121: {  	_ =	swait.ge [sflag:s25], $0x1A00  }
0x122: {  	[sflag:s25] =	ssyncset.done $0x0  }
0x123: {  	s16 =	simm.s32 $0x0;
	[sflag:s25] =	ssyncadd.s32 $0xFFFFE600  }
0x124: {  	v0 =	vld [tilespmem:s16+$0x12660];
	_ =	sdelay $0x4  }
0x125: {  	s14 =	simm.s32 $0x140A0;
	v1 =	vunpack.i.l.bf16.f32 v0  }
0x126: {  	v0 =	vunpack.i.u.bf16.f32 v0;
	[tilespmem:s14+$0xFFFFFFC0] =	vst v1  }
0x127: {  	[tilespmem:s14+$0xFFFFFFD0] =	vst v0  }
0x128: {  	v0 =	vld [tilespmem:s16+$0x12670];
	_ =	sdelay $0x4  }
0x129: {  	v1 =	vunpack.i.l.bf16.f32 v0  }
0x12a: {  	v0 =	vunpack.i.u.bf16.f32 v0;
	[tilespmem:s14+$0xFFFFFFE0] =	vst v1  }
0x12b: {  	[tilespmem:s14+$0xFFFFFFF0] =	vst v0  }
0x12c: {  	v0 =	vld [tilespmem:s16+$0x12680];
	_ =	sdelay $0x4  }
0x12d: {  	v1 =	vunpack.i.u.bf16.f32 v0  }
0x12e: {  	v0 =	vunpack.i.l.bf16.f32 v0;
	[tilespmem:s14+$0x10] =	vst v1  }
0x12f: {  	[tilespmem:s14+$0x0] =	vst v0  }
0x130: {  	v0 =	vld [tilespmem:s16+$0x12690];
	_ =	sdelay $0x4  }
0x131: {  	v1 =	vunpack.i.l.bf16.f32 v0  }
0x132: {  	v0 =	vunpack.i.u.bf16.f32 v0;
	[tilespmem:s14+$0x20] =	vst v1  }
0x133: {  	s15 =	simm.s32 $0x40;
	[tilespmem:s14+$0x30] =	vst v0  }
0x134: {  	v0 =	vld [tilespmem:s15+$0x12660]  }
0x135: {  	s16 =	simm.s32 $0x200  }
.LBB2_8:
0x136: {  	p1 =	sne.s32 s16, $0x6700;
	_ =	sdelay $0x2  }
0x137: {  	s14 =	sadd.s32 $0x80, s14;
	v1 =	vunpack.i.l.bf16.f32 v0  }
0x138: {  	v0 =	vunpack.i.u.bf16.f32 v0;
	[tilespmem:s14+$0xFFFFFFC0] =	vst v1  }
0x139: {  	[tilespmem:s14+$0xFFFFFFD0] =	vst v0  }
0x13a: {  	v0 =	vld [tilespmem:s15+$0x12670];
	_ =	sdelay $0x4  }
0x13b: {  	v1 =	vunpack.i.l.bf16.f32 v0  }
0x13c: {  	v0 =	vunpack.i.u.bf16.f32 v0;
	[tilespmem:s14+$0xFFFFFFE0] =	vst v1  }
0x13d: {  	[tilespmem:s14+$0xFFFFFFF0] =	vst v0  }
0x13e: {  	v0 =	vld [tilespmem:s15+$0x12680];
	_ =	sdelay $0x4  }
0x13f: {  	v1 =	vunpack.i.u.bf16.f32 v0;
	v0 =	vunpack.i.l.bf16.f32 v0  }
0x140: {  	[tilespmem:s14+$0x10] =	vst v1  }
0x141: {  	[tilespmem:s14+$0x0] =	vst v0  }
0x142: {  	v0 =	vld [tilespmem:s15+$0x12690];
	_ =	sdelay $0x4  }
.Ltmp5:
0x143: {  	v1 =	vunpack.i.u.bf16.f32 v0;
	v0 =	vunpack.i.l.bf16.f32 v0;
	(pc) =	sbr.rel @p1 .LBB2_8-.Ltmp5, $4  }
0x144: {  	[tilespmem:s14+$0x20] =	vst v0  }
0x145: {  	s15 =	sshra.s32 s16, $0x2;
	[tilespmem:s14+$0x30] =	vst v1  }
0x146: {  	v0 =	vld [tilespmem:s15+$0x12660]  }
0x147: {  	s16 =	sadd.s32 $0x100, s16  }
0x148: {  	_ =	sdelay $0x2  }
0x149: {  	s14 =	sadd.s32 $0x80, s14;
	v1 =	vunpack.i.l.bf16.f32 v0  }
0x14a: {  	v0 =	vunpack.i.u.bf16.f32 v0;
	[tilespmem:s14+$0xFFFFFFC0] =	vst v1  }
0x14b: {  	[tilespmem:s14+$0xFFFFFFD0] =	vst v0  }
0x14c: {  	v0 =	vld [tilespmem:s15+$0x12670];
	_ =	sdelay $0x4  }
0x14d: {  	v1 =	vunpack.i.l.bf16.f32 v0  }
0x14e: {  	v0 =	vunpack.i.u.bf16.f32 v0;
	[tilespmem:s14+$0xFFFFFFE0] =	vst v1  }
0x14f: {  	[tilespmem:s14+$0xFFFFFFF0] =	vst v0  }
0x150: {  	v0 =	vld [tilespmem:s15+$0x12680];
	_ =	sdelay $0x4  }
0x151: {  	v1 =	vunpack.i.u.bf16.f32 v0  }
0x152: {  	v0 =	vunpack.i.l.bf16.f32 v0;
	[tilespmem:s14+$0x10] =	vst v1  }
0x153: {  	[tilespmem:s14+$0x0] =	vst v0  }
0x154: {  	v0 =	vld [tilespmem:s15+$0x12690];
	_ =	sdelay $0x4  }
0x155: {  	v1 =	vunpack.i.l.bf16.f32 v0  }
0x156: {  	v0 =	vunpack.i.u.bf16.f32 v0;
	[tilespmem:s14+$0x20] =	vst v1  }
0x157: {  	s16 =	rddreg [dreg:$0xc];
	s15 =	simm.s32 $0x0;
	[tilespmem:s14+$0x30] =	vst v0  }
0x158: {  	[hbm4b:s16+s15] =	stream.linear.scatter [tilespmem:s12], [sflag:$0x7], $0x3400, $0x38;
	[tilespmem:$0x17460] =	vst v63  }
0x159: {  	_ =	swait.ge [sflag:s25], $0x3400  }
0x15a: {  	[sflag:s25] =	ssyncset.done $0x0  }
0x15b: {  	[sflag:s25] =	ssyncadd.s32 $0xFFFFCC00  }
0x15c: {  	[tilespmem:s11], [sflag:$0x7] =	stream.linear.gather [spmem:s17], $0x1A00, $0x38;
	[tilespmem:$0x17460] =	vst v63  }
0x15d: {  	_ =	swait.ge [sflag:s25], $0x1A00  }
0x15e: {  	[sflag:s25] =	ssyncset.done $0x0  }
0x15f: {  	s16 =	simm.s32 $0x0;
	[sflag:s25] =	ssyncadd.s32 $0xFFFFE600  }
0x160: {  	v0 =	vld [tilespmem:s16+$0x12660];
	_ =	sdelay $0x4  }
0x161: {  	s14 =	simm.s32 $0x140A0;
	v1 =	vunpack.i.l.bf16.f32 v0  }
0x162: {  	v0 =	vunpack.i.u.bf16.f32 v0;
	[tilespmem:s14+$0xFFFFFFC0] =	vst v1  }
0x163: {  	[tilespmem:s14+$0xFFFFFFD0] =	vst v0  }
0x164: {  	v0 =	vld [tilespmem:s16+$0x12670];
	_ =	sdelay $0x4  }
0x165: {  	v1 =	vunpack.i.l.bf16.f32 v0  }
0x166: {  	v0 =	vunpack.i.u.bf16.f32 v0;
	[tilespmem:s14+$0xFFFFFFE0] =	vst v1  }
0x167: {  	[tilespmem:s14+$0xFFFFFFF0] =	vst v0  }
0x168: {  	v0 =	vld [tilespmem:s16+$0x12680];
	_ =	sdelay $0x4  }
0x169: {  	v1 =	vunpack.i.u.bf16.f32 v0  }
0x16a: {  	v0 =	vunpack.i.l.bf16.f32 v0;
	[tilespmem:s14+$0x10] =	vst v1  }
0x16b: {  	[tilespmem:s14+$0x0] =	vst v0  }
0x16c: {  	v0 =	vld [tilespmem:s16+$0x12690];
	_ =	sdelay $0x4  }
0x16d: {  	v1 =	vunpack.i.l.bf16.f32 v0  }
0x16e: {  	v0 =	vunpack.i.u.bf16.f32 v0;
	[tilespmem:s14+$0x20] =	vst v1  }
0x16f: {  	s15 =	simm.s32 $0x40;
	[tilespmem:s14+$0x30] =	vst v0  }
0x170: {  	v0 =	vld [tilespmem:s15+$0x12660]  }
0x171: {  	s16 =	simm.s32 $0x200  }
.LBB2_10:
0x172: {  	p1 =	sne.s32 s16, $0x6700;
	_ =	sdelay $0x2  }
0x173: {  	s14 =	sadd.s32 $0x80, s14;
	v1 =	vunpack.i.l.bf16.f32 v0  }
0x174: {  	v0 =	vunpack.i.u.bf16.f32 v0;
	[tilespmem:s14+$0xFFFFFFC0] =	vst v1  }
0x175: {  	[tilespmem:s14+$0xFFFFFFD0] =	vst v0  }
0x176: {  	v0 =	vld [tilespmem:s15+$0x12670];
	_ =	sdelay $0x4  }
0x177: {  	v1 =	vunpack.i.l.bf16.f32 v0  }
0x178: {  	v0 =	vunpack.i.u.bf16.f32 v0;
	[tilespmem:s14+$0xFFFFFFE0] =	vst v1  }
0x179: {  	[tilespmem:s14+$0xFFFFFFF0] =	vst v0  }
0x17a: {  	v0 =	vld [tilespmem:s15+$0x12680];
	_ =	sdelay $0x4  }
0x17b: {  	v1 =	vunpack.i.u.bf16.f32 v0;
	v0 =	vunpack.i.l.bf16.f32 v0  }
0x17c: {  	[tilespmem:s14+$0x10] =	vst v1  }
0x17d: {  	[tilespmem:s14+$0x0] =	vst v0  }
0x17e: {  	v0 =	vld [tilespmem:s15+$0x12690];
	_ =	sdelay $0x4  }
.Ltmp6:
0x17f: {  	v1 =	vunpack.i.u.bf16.f32 v0;
	v0 =	vunpack.i.l.bf16.f32 v0;
	(pc) =	sbr.rel @p1 .LBB2_10-.Ltmp6, $4  }
0x180: {  	[tilespmem:s14+$0x20] =	vst v0  }
0x181: {  	s15 =	sshra.s32 s16, $0x2;
	[tilespmem:s14+$0x30] =	vst v1  }
0x182: {  	v0 =	vld [tilespmem:s15+$0x12660]  }
0x183: {  	s16 =	sadd.s32 $0x100, s16  }
0x184: {  	_ =	sdelay $0x2  }
0x185: {  	s14 =	sadd.s32 $0x80, s14;
	v1 =	vunpack.i.l.bf16.f32 v0  }
0x186: {  	v0 =	vunpack.i.u.bf16.f32 v0;
	[tilespmem:s14+$0xFFFFFFC0] =	vst v1  }
0x187: {  	[tilespmem:s14+$0xFFFFFFD0] =	vst v0  }
0x188: {  	v0 =	vld [tilespmem:s15+$0x12670];
	_ =	sdelay $0x4  }
0x189: {  	v1 =	vunpack.i.l.bf16.f32 v0  }
0x18a: {  	v0 =	vunpack.i.u.bf16.f32 v0;
	[tilespmem:s14+$0xFFFFFFE0] =	vst v1  }
0x18b: {  	[tilespmem:s14+$0xFFFFFFF0] =	vst v0  }
0x18c: {  	v0 =	vld [tilespmem:s15+$0x12680];
	_ =	sdelay $0x4  }
0x18d: {  	v1 =	vunpack.i.u.bf16.f32 v0  }
0x18e: {  	v0 =	vunpack.i.l.bf16.f32 v0;
	[tilespmem:s14+$0x10] =	vst v1  }
0x18f: {  	[tilespmem:s14+$0x0] =	vst v0  }
0x190: {  	v0 =	vld [tilespmem:s15+$0x12690];
	_ =	sdelay $0x4  }
0x191: {  	v1 =	vunpack.i.l.bf16.f32 v0  }
0x192: {  	v0 =	vunpack.i.u.bf16.f32 v0;
	[tilespmem:s14+$0x20] =	vst v1  }
0x193: {  	s15 =	simm.s32 $0x0;
	[tilespmem:s14+$0x30] =	vst v0  }
0x194: {  	[hbm4b:s18+s15] =	stream.linear.scatter [tilespmem:s12], [sflag:$0x7], $0x3400, $0x38;
	[tilespmem:$0x17460] =	vst v63  }
0x195: {  	_ =	swait.ge [sflag:s25], $0x3400  }
0x196: {  	[sflag:s25] =	ssyncset.done $0x0  }
0x197: {  	[sflag:s25] =	ssyncadd.s32 $0xFFFFCC00  }
0x198: {  	[tilespmem:s11], [sflag:$0x7] =	stream.linear.gather [spmem:s19], $0x1A00, $0x38;
	[tilespmem:$0x17460] =	vst v63  }
0x199: {  	_ =	swait.ge [sflag:s25], $0x1A00  }
0x19a: {  	[sflag:s25] =	ssyncset.done $0x0  }
0x19b: {  	s16 =	simm.s32 $0x0;
	[sflag:s25] =	ssyncadd.s32 $0xFFFFE600  }
0x19c: {  	v0 =	vld [tilespmem:s16+$0x12660];
	_ =	sdelay $0x4  }
0x19d: {  	s14 =	simm.s32 $0x140A0;
	v1 =	vunpack.i.l.bf16.f32 v0  }
0x19e: {  	v0 =	vunpack.i.u.bf16.f32 v0;
	[tilespmem:s14+$0xFFFFFFC0] =	vst v1  }
0x19f: {  	[tilespmem:s14+$0xFFFFFFD0] =	vst v0  }
0x1a0: {  	v0 =	vld [tilespmem:s16+$0x12670];
	_ =	sdelay $0x4  }
0x1a1: {  	v1 =	vunpack.i.l.bf16.f32 v0  }
0x1a2: {  	v0 =	vunpack.i.u.bf16.f32 v0;
	[tilespmem:s14+$0xFFFFFFE0] =	vst v1  }
0x1a3: {  	[tilespmem:s14+$0xFFFFFFF0] =	vst v0  }
0x1a4: {  	v0 =	vld [tilespmem:s16+$0x12680];
	_ =	sdelay $0x4  }
0x1a5: {  	v1 =	vunpack.i.u.bf16.f32 v0  }
0x1a6: {  	v0 =	vunpack.i.l.bf16.f32 v0;
	[tilespmem:s14+$0x10] =	vst v1  }
0x1a7: {  	[tilespmem:s14+$0x0] =	vst v0  }
0x1a8: {  	v0 =	vld [tilespmem:s16+$0x12690];
	_ =	sdelay $0x4  }
0x1a9: {  	v1 =	vunpack.i.l.bf16.f32 v0  }
0x1aa: {  	v0 =	vunpack.i.u.bf16.f32 v0;
	[tilespmem:s14+$0x20] =	vst v1  }
0x1ab: {  	s15 =	simm.s32 $0x40;
	[tilespmem:s14+$0x30] =	vst v0  }
0x1ac: {  	v0 =	vld [tilespmem:s15+$0x12660]  }
0x1ad: {  	s16 =	simm.s32 $0x200  }
.LBB2_12:
0x1ae: {  	p1 =	sne.s32 s16, $0x6700;
	_ =	sdelay $0x2  }
0x1af: {  	s14 =	sadd.s32 $0x80, s14;
	v1 =	vunpack.i.l.bf16.f32 v0  }
0x1b0: {  	v0 =	vunpack.i.u.bf16.f32 v0;
	[tilespmem:s14+$0xFFFFFFC0] =	vst v1  }
0x1b1: {  	[tilespmem:s14+$0xFFFFFFD0] =	vst v0  }
0x1b2: {  	v0 =	vld [tilespmem:s15+$0x12670];
	_ =	sdelay $0x4  }
0x1b3: {  	v1 =	vunpack.i.l.bf16.f32 v0  }
0x1b4: {  	v0 =	vunpack.i.u.bf16.f32 v0;
	[tilespmem:s14+$0xFFFFFFE0] =	vst v1  }
0x1b5: {  	[tilespmem:s14+$0xFFFFFFF0] =	vst v0  }
0x1b6: {  	v0 =	vld [tilespmem:s15+$0x12680];
	_ =	sdelay $0x4  }
0x1b7: {  	v1 =	vunpack.i.u.bf16.f32 v0;
	v0 =	vunpack.i.l.bf16.f32 v0  }
0x1b8: {  	[tilespmem:s14+$0x10] =	vst v1  }
0x1b9: {  	[tilespmem:s14+$0x0] =	vst v0  }
0x1ba: {  	v0 =	vld [tilespmem:s15+$0x12690];
	_ =	sdelay $0x4  }
.Ltmp7:
0x1bb: {  	v1 =	vunpack.i.u.bf16.f32 v0;
	v0 =	vunpack.i.l.bf16.f32 v0;
	(pc) =	sbr.rel @p1 .LBB2_12-.Ltmp7, $4  }
0x1bc: {  	[tilespmem:s14+$0x20] =	vst v0  }
0x1bd: {  	s15 =	sshra.s32 s16, $0x2;
	[tilespmem:s14+$0x30] =	vst v1  }
0x1be: {  	v0 =	vld [tilespmem:s15+$0x12660]  }
0x1bf: {  	s16 =	sadd.s32 $0x100, s16  }
0x1c0: {  	_ =	sdelay $0x2  }
0x1c1: {  	s14 =	sadd.s32 $0x80, s14;
	v1 =	vunpack.i.l.bf16.f32 v0  }
0x1c2: {  	v0 =	vunpack.i.u.bf16.f32 v0;
	[tilespmem:s14+$0xFFFFFFC0] =	vst v1  }
0x1c3: {  	[tilespmem:s14+$0xFFFFFFD0] =	vst v0  }
0x1c4: {  	v0 =	vld [tilespmem:s15+$0x12670];
	_ =	sdelay $0x4  }
0x1c5: {  	v1 =	vunpack.i.l.bf16.f32 v0  }
0x1c6: {  	v0 =	vunpack.i.u.bf16.f32 v0;
	[tilespmem:s14+$0xFFFFFFE0] =	vst v1  }
0x1c7: {  	[tilespmem:s14+$0xFFFFFFF0] =	vst v0  }
0x1c8: {  	v0 =	vld [tilespmem:s15+$0x12680];
	_ =	sdelay $0x4  }
0x1c9: {  	v1 =	vunpack.i.u.bf16.f32 v0  }
0x1ca: {  	v0 =	vunpack.i.l.bf16.f32 v0;
	[tilespmem:s14+$0x10] =	vst v1  }
0x1cb: {  	[tilespmem:s14+$0x0] =	vst v0  }
0x1cc: {  	v0 =	vld [tilespmem:s15+$0x12690];
	_ =	sdelay $0x4  }
0x1cd: {  	v1 =	vunpack.i.l.bf16.f32 v0  }
0x1ce: {  	v0 =	vunpack.i.u.bf16.f32 v0;
	[tilespmem:s14+$0x20] =	vst v1  }
0x1cf: {  	s15 =	simm.s32 $0x0;
	[tilespmem:s14+$0x30] =	vst v0  }
0x1d0: {  	[hbm4b:s20+s15] =	stream.linear.scatter [tilespmem:s12], [sflag:$0x7], $0x3400, $0x38;
	[tilespmem:$0x17460] =	vst v63  }
0x1d1: {  	_ =	swait.ge [sflag:s25], $0x3400  }
0x1d2: {  	[sflag:s25] =	ssyncset.done $0x0  }
0x1d3: {  	[sflag:s25] =	ssyncadd.s32 $0xFFFFCC00  }
0x1d4: {  	[tilespmem:s11], [sflag:$0x7] =	stream.linear.gather [spmem:s21], $0x1A00, $0x38;
	[tilespmem:$0x17460] =	vst v63  }
0x1d5: {  	_ =	swait.ge [sflag:s25], $0x1A00  }
0x1d6: {  	[sflag:s25] =	ssyncset.done $0x0  }
0x1d7: {  	s16 =	simm.s32 $0x0;
	[sflag:s25] =	ssyncadd.s32 $0xFFFFE600  }
0x1d8: {  	v0 =	vld [tilespmem:s16+$0x12660];
	_ =	sdelay $0x4  }
0x1d9: {  	s14 =	simm.s32 $0x140A0;
	v1 =	vunpack.i.l.bf16.f32 v0  }
0x1da: {  	v0 =	vunpack.i.u.bf16.f32 v0;
	[tilespmem:s14+$0xFFFFFFC0] =	vst v1  }
0x1db: {  	[tilespmem:s14+$0xFFFFFFD0] =	vst v0  }
0x1dc: {  	v0 =	vld [tilespmem:s16+$0x12670];
	_ =	sdelay $0x4  }
0x1dd: {  	v1 =	vunpack.i.l.bf16.f32 v0  }
0x1de: {  	v0 =	vunpack.i.u.bf16.f32 v0;
	[tilespmem:s14+$0xFFFFFFE0] =	vst v1  }
0x1df: {  	[tilespmem:s14+$0xFFFFFFF0] =	vst v0  }
0x1e0: {  	v0 =	vld [tilespmem:s16+$0x12680];
	_ =	sdelay $0x4  }
0x1e1: {  	v1 =	vunpack.i.u.bf16.f32 v0  }
0x1e2: {  	v0 =	vunpack.i.l.bf16.f32 v0;
	[tilespmem:s14+$0x10] =	vst v1  }
0x1e3: {  	[tilespmem:s14+$0x0] =	vst v0  }
0x1e4: {  	v0 =	vld [tilespmem:s16+$0x12690];
	_ =	sdelay $0x4  }
0x1e5: {  	v1 =	vunpack.i.l.bf16.f32 v0  }
0x1e6: {  	v0 =	vunpack.i.u.bf16.f32 v0;
	[tilespmem:s14+$0x20] =	vst v1  }
0x1e7: {  	s15 =	simm.s32 $0x40;
	[tilespmem:s14+$0x30] =	vst v0  }
0x1e8: {  	v0 =	vld [tilespmem:s15+$0x12660]  }
0x1e9: {  	s16 =	simm.s32 $0x200  }
.LBB2_14:
0x1ea: {  	p1 =	sne.s32 s16, $0x6700;
	_ =	sdelay $0x2  }
0x1eb: {  	s14 =	sadd.s32 $0x80, s14;
	v1 =	vunpack.i.l.bf16.f32 v0  }
0x1ec: {  	v0 =	vunpack.i.u.bf16.f32 v0;
	[tilespmem:s14+$0xFFFFFFC0] =	vst v1  }
0x1ed: {  	[tilespmem:s14+$0xFFFFFFD0] =	vst v0  }
0x1ee: {  	v0 =	vld [tilespmem:s15+$0x12670];
	_ =	sdelay $0x4  }
0x1ef: {  	v1 =	vunpack.i.l.bf16.f32 v0  }
0x1f0: {  	v0 =	vunpack.i.u.bf16.f32 v0;
	[tilespmem:s14+$0xFFFFFFE0] =	vst v1  }
0x1f1: {  	[tilespmem:s14+$0xFFFFFFF0] =	vst v0  }
0x1f2: {  	v0 =	vld [tilespmem:s15+$0x12680];
	_ =	sdelay $0x4  }
0x1f3: {  	v1 =	vunpack.i.u.bf16.f32 v0;
	v0 =	vunpack.i.l.bf16.f32 v0  }
0x1f4: {  	[tilespmem:s14+$0x10] =	vst v1  }
0x1f5: {  	[tilespmem:s14+$0x0] =	vst v0  }
0x1f6: {  	v0 =	vld [tilespmem:s15+$0x12690];
	_ =	sdelay $0x4  }
.Ltmp8:
0x1f7: {  	v1 =	vunpack.i.u.bf16.f32 v0;
	v0 =	vunpack.i.l.bf16.f32 v0;
	(pc) =	sbr.rel @p1 .LBB2_14-.Ltmp8, $4  }
0x1f8: {  	[tilespmem:s14+$0x20] =	vst v0  }
0x1f9: {  	s15 =	sshra.s32 s16, $0x2;
	[tilespmem:s14+$0x30] =	vst v1  }
0x1fa: {  	v0 =	vld [tilespmem:s15+$0x12660]  }
0x1fb: {  	s16 =	sadd.s32 $0x100, s16  }
0x1fc: {  	_ =	sdelay $0x2  }
0x1fd: {  	s14 =	sadd.s32 $0x80, s14;
	v1 =	vunpack.i.l.bf16.f32 v0  }
0x1fe: {  	v60 =	vunpack.i.u.bf16.f32 v0;
	[tilespmem:s14+$0xFFFFFFC0] =	vst v1  }
0x1ff: {  	[tilespmem:s14+$0xFFFFFFD0] =	vst v60  }
0x200: {  	v0 =	vld [tilespmem:s15+$0x12670];
	_ =	sdelay $0x4  }
0x201: {  	v61 =	vunpack.i.l.bf16.f32 v0  }
0x202: {  	v0 =	vunpack.i.u.bf16.f32 v0;
	[tilespmem:s14+$0xFFFFFFE0] =	vst v61  }
0x203: {  	[tilespmem:s14+$0xFFFFFFF0] =	vst v0  }
0x204: {  	v0 =	vld [tilespmem:s15+$0x12680];
	_ =	sdelay $0x4  }
0x205: {  	v62 =	vunpack.i.u.bf16.f32 v0  }
0x206: {  	v0 =	vunpack.i.l.bf16.f32 v0;
	[tilespmem:s14+$0x10] =	vst v62  }
0x207: {  	[tilespmem:s14+$0x0] =	vst v0  }
0x208: {  	v0 =	vld [tilespmem:s15+$0x12690];
	_ =	sdelay $0x4  }
0x209: {  	v63 =	vunpack.i.l.bf16.f32 v0  }
0x20a: {  	v0 =	vunpack.i.u.bf16.f32 v0;
	[tilespmem:s14+$0x20] =	vst v63  }
.Ltmp9:
0x20b: {  	[tilespmem:s14+$0x30] =	vst v0;
	(pc) =	sbr.rel @p0 .LBB2_19-.Ltmp9, $4  }
0x20c: {  	[hbm4b:s22+s4] =	stream.linear.scatter [tilespmem:s12], [sflag:$0x7], $0x3400, $0x38;
	[tilespmem:$0x17460] =	vst v63  }
0x20d: {  	_ =	swait.ge [sflag:s25], $0x3400  }
0x20e: {  	[sflag:s25] =	ssyncset.done $0x0  }
0x20f: {  	[sflag:s25] =	ssyncadd.s32 $0xFFFFCC00  }
0x210: {  	[tilespmem:s11], [sflag:$0x7] =	stream.linear.gather [spmem:s8], $0x400, $0x38;
	[tilespmem:$0x17460] =	vst v63  }
0x211: {  	_ =	swait.ge [sflag:s25], $0x400  }
0x212: {  	[sflag:s25] =	ssyncset.done $0x0  }
0x213: {  	s15 =	simm.s32 $0x0;
	[sflag:s25] =	ssyncadd.s32 $0xFFFFFC00  }
0x214: {  	v0 =	vld [tilespmem:s15+$0x12660];
	_ =	sdelay $0x4  }
0x215: {  	s14 =	simm.s32 $0x140A0;
	v1 =	vunpack.i.l.bf16.f32 v0  }
0x216: {  	v0 =	vunpack.i.u.bf16.f32 v0;
	[tilespmem:s14+$0xFFFFFFC0] =	vst v1  }
0x217: {  	[tilespmem:s14+$0xFFFFFFD0] =	vst v0  }
0x218: {  	v0 =	vld [tilespmem:s15+$0x12670];
	_ =	sdelay $0x4  }
0x219: {  	v1 =	vunpack.i.l.bf16.f32 v0  }
0x21a: {  	v0 =	vunpack.i.u.bf16.f32 v0;
	[tilespmem:s14+$0xFFFFFFE0] =	vst v1  }
0x21b: {  	[tilespmem:s14+$0xFFFFFFF0] =	vst v0  }
0x21c: {  	v0 =	vld [tilespmem:s15+$0x12680];
	_ =	sdelay $0x4  }
0x21d: {  	v1 =	vunpack.i.u.bf16.f32 v0  }
0x21e: {  	v0 =	vunpack.i.l.bf16.f32 v0;
	[tilespmem:s14+$0x10] =	vst v1  }
0x21f: {  	[tilespmem:s14+$0x0] =	vst v0  }
0x220: {  	v0 =	vld [tilespmem:s15+$0x12690];
	_ =	sdelay $0x4  }
0x221: {  	v1 =	vunpack.i.l.bf16.f32 v0  }
0x222: {  	v0 =	vunpack.i.u.bf16.f32 v0;
	[tilespmem:s14+$0x20] =	vst v1  }
0x223: {  	s15 =	simm.s32 $0x40;
	[tilespmem:s14+$0x30] =	vst v0  }
0x224: {  	v0 =	vld [tilespmem:s15+$0x12660]  }
0x225: {  	s16 =	simm.s32 $0x200  }
.LBB2_17:
0x226: {  	p1 =	sne.s32 s16, $0xF00;
	_ =	sdelay $0x2  }
0x227: {  	v1 =	vunpack.i.l.bf16.f32 v0;
	s14 =	sadd.s32 $0x80, s14  }
0x228: {  	v0 =	vunpack.i.u.bf16.f32 v0;
	[tilespmem:s14+$0xFFFFFFC0] =	vst v1  }
0x229: {  	[tilespmem:s14+$0xFFFFFFD0] =	vst v0  }
0x22a: {  	v0 =	vld [tilespmem:s15+$0x12670];
	_ =	sdelay $0x4  }
0x22b: {  	v1 =	vunpack.i.l.bf16.f32 v0  }
0x22c: {  	v0 =	vunpack.i.u.bf16.f32 v0;
	[tilespmem:s14+$0xFFFFFFE0] =	vst v1  }
0x22d: {  	[tilespmem:s14+$0xFFFFFFF0] =	vst v0  }
0x22e: {  	v0 =	vld [tilespmem:s15+$0x12680];
	_ =	sdelay $0x4  }
0x22f: {  	v1 =	vunpack.i.u.bf16.f32 v0;
	v0 =	vunpack.i.l.bf16.f32 v0  }
0x230: {  	[tilespmem:s14+$0x10] =	vst v1  }
0x231: {  	[tilespmem:s14+$0x0] =	vst v0  }
0x232: {  	v0 =	vld [tilespmem:s15+$0x12690];
	_ =	sdelay $0x4  }
.Ltmp10:
0x233: {  	v1 =	vunpack.i.u.bf16.f32 v0;
	v0 =	vunpack.i.l.bf16.f32 v0;
	(pc) =	sbr.rel @p1 .LBB2_17-.Ltmp10, $4  }
0x234: {  	[tilespmem:s14+$0x20] =	vst v0  }
0x235: {  	s15 =	sshra.s32 s16, $0x2;
	[tilespmem:s14+$0x30] =	vst v1  }
0x236: {  	v0 =	vld [tilespmem:s15+$0x12660]  }
0x237: {  	s16 =	sadd.s32 $0x100, s16  }
.Ltmp11:
0x238: {  	_ = 	snop;
	(pc) =	sbr.rel .LBB2_18-.Ltmp11, $1  }
0x239: {  	_ =	sdelay $0x3  }
.LBB2_20:
0x23a: {  	_ =	sfence.sel $0x180000  }
0x23b: {  	[bflag:$0x0] =	sbarrier.arrive $0xFFFF  }
0x23c: {  	_ =	strace $0x90000047  }
0x23d: {  	s0 =	stileid.u32;
	[bflag:$0x2] =	sbarrier.arrive $0xFFFF  }
0x23e: {  	p0 =	sne.s32 s0, $0x0;
	s0 =	rddreg [dreg:$0x3]  }
0x23f: {  	s0 =	sadd.s32 @!p0 $0x100000, s0  }
0x240: {  	[sflag:s0] =	ssyncadd.tile.s32 @!p0 $0x1;
	_ =	shalt  }
.Lfunc_end2:
_tile_overlayer_lowered:
.L_overlay_start_2:
0x241: {  	(tag) =	ssettag $0x2  }
0x242: {  	s0 =	rddreg [dreg:$0x0];
	s2 =	stileid.u32  }
0x243: {  	s1 =	rddreg [dreg:$0x1];
	p0 =	sne.s32 s2, $0x0  }
0x244: {  	s3 =	rddreg [dreg:$0x2];
	[bflag:$0x3] =	sbarrier.arrive $0xFFFF;
	s2 =	simm.s32 @!p0 $0x1C07  }
0x245: {  	[timem:s3], [sflag:s2] =	dma.local @!p0 [hbm:s0], s1  }
0x246: {  	s0 =	simm.s32 @!p0 $0x7  }
0x247: {  	_ =	swait.ge @!p0 [sflag:s0], s1  }
0x248: {  	s1 =	ssub.s32 @!p0 $0x0, s1;
	[sflag:s0] =	ssyncset.done @!p0 $0x0  }
0x249: {  	[sflag:s0] =	ssyncadd.s32 @!p0 s1  }
0x24a: {  	[bflag:$0x3] =	sbarrier.arrive $0xFFFF  }
0x24b: {  	_ =	shalt  }

</sc_bundles>
